<compile_context>
chip_gen: v7x
topology: tpu7x:2x2x1
jax: 0.10.2.dev20260603
libtpu: 0.0.44.dev20260713+nightly
codegen_flags: <defaults>
</compile_context>

<pallas_src>
import functools

import jax
import jax.numpy as jnp
from jax import lax
from jax.experimental import pallas as pl
from jax.experimental.pallas import tpu as pltpu
from jax.experimental.pallas import tpu_sc as plsc

NC, NS, L = 2, 16, 16
NW = NC * NS
D = 128
B = 16384 * 200
BPW = B // NW
CH = 400
NCHUNK = BPW // CH

_mesh = plsc.VectorSubcoreMesh(
    core_axis_name="c", subcore_axis_name="s", num_cores=NC, num_subcores=NS
)


@functools.partial(
    pl.kernel,
    out_type=jax.ShapeDtypeStruct((B, D), jnp.float32),
    mesh=_mesh,
    scratch_types=[
        pltpu.VMEM((7, D), jnp.float32),
        pltpu.VMEM((CH,), jnp.int32),
        pltpu.VMEM((CH,), jnp.int32),
        pltpu.VMEM((CH, D), jnp.float32),
        pltpu.VMEM((CH, D), jnp.float32),
        pltpu.SemaphoreType.DMA,
        pltpu.SemaphoreType.DMA,
        pltpu.SemaphoreType.DMA,
        pltpu.SemaphoreType.DMA,
    ],
    compiler_params=pltpu.CompilerParams(needs_layout_passes=False),
)
def _emb(d_hbm, table_hbm, out_hbm, table_v, idx0, idx1, rows0, rows1,
         isem0, isem1, osem0, osem1):
    idx = (idx0, idx1)
    rows = (rows0, rows1)
    isem = (isem0, isem1)
    osem = (osem0, osem1)
    wid = lax.axis_index("s") * NC + lax.axis_index("c")
    base = wid * BPW
    pltpu.sync_copy(table_hbm, table_v)
    lane = lax.iota(jnp.int32, L)

    def start_idx(g, b):
        pltpu.async_copy(d_hbm.at[pl.ds(base + g * CH, CH)], idx[b], isem[b])

    def wait_idx(b):
        pltpu.make_async_copy(
            d_hbm.at[pl.ds(base, CH)], idx[b], isem[b]
        ).wait()

    def start_out(g, b):
        pltpu.async_copy(rows[b], out_hbm.at[pl.ds(base + g * CH, CH)], osem[b])

    def wait_out(b):
        pltpu.make_async_copy(
            rows[b], out_hbm.at[pl.ds(base, CH)], osem[b]
        ).wait()

    def expand(b):
        idx_b = idx[b]
        rows_b = rows[b]

        @plsc.parallel_loop(0, CH, unroll=4)
        def _(i):
            ksplat = plsc.load_gather(idx_b, [jnp.full((L,), i, jnp.int32)])
            for j in range(D // L):
                rows_b[i, pl.ds(j * L, L)] = plsc.load_gather(
                    table_v, [ksplat, j * L + lane]
                )

    start_idx(0, 0)
    start_idx(1, 1)

    def pair_body(h, carry):
        for b in range(2):
            g = 2 * h + b
            wait_idx(b)

            @pl.when(h > 0)
            def _():
                wait_out(b)

            expand(b)
            start_out(g, b)

            @pl.when(g + 2 < NCHUNK)
            def _():
                start_idx(g + 2, b)

        return carry

    lax.fori_loop(0, NCHUNK // 2, pair_body, 0)
    wait_out(0)
    wait_out(1)


def kernel(d, table):
    out = _emb(d.reshape(B), table)
    return out.reshape(d.shape[0], d.shape[1], D)

# --- scband reference (transcript-rebuilt; emitter-appended) ---
"""Pipeline reference for scband-dayof-week-time-embedding-model-78640851190452 (READ-ONLY COPY).

The authoritative reference and input builder live on the scoring server;
editing this copy changes nothing except your own understanding.
"""

import jax, jax.numpy as jnp
import numpy as np


def setup_inputs(seed: int = 0) -> dict:
    key = jax.random.key(seed)
    k1, k2 = jax.random.split(key)
    d = jax.random.randint(k1, (16384, 200), 0, 7, dtype=jnp.int32)
    # nn.Embedding(7, emb_dim) weight, default init N(0,1)
    table = jax.random.normal(k2, (7, 128), dtype=jnp.float32)
    return {"d": d, "table": table}


def reference(d, table):
    # Faithful translation of self.embedding(d): gather rows of the table.
    return jnp.take(table, d, axis=0)

if __name__ == "__main__":
    import jax
    _d = setup_inputs()
    print(jax.jit(kernel)(*tuple(_d.values())))

</pallas_src>

<mosaic_0001>
#map = affine_map<(d0, d1) -> (0)>
#map1 = affine_map<(d0, d1) -> (0, 0)>
module attributes {stable_mosaic.version = 14 : i64} {
  func.func @_emb(%arg0: i32, %arg1: i32, %arg2: memref<3276800xi32, #tpu.memory_space<hbm>>, %arg3: memref<7x128xf32, #tpu.memory_space<hbm>>, %arg4: memref<3276800x128xf32, #tpu.memory_space<hbm>>, %arg5: memref<7x128xf32, #tpu.memory_space<vmem>>, %arg6: memref<400xi32, #tpu.memory_space<vmem>>, %arg7: memref<400xi32, #tpu.memory_space<vmem>>, %arg8: memref<400x128xf32, #tpu.memory_space<vmem>>, %arg9: memref<400x128xf32, #tpu.memory_space<vmem>>, %arg10: memref<!tpu.dma_semaphore, #tpu.memory_space<semaphore_mem>>, %arg11: memref<!tpu.dma_semaphore, #tpu.memory_space<semaphore_mem>>, %arg12: memref<!tpu.dma_semaphore, #tpu.memory_space<semaphore_mem>>, %arg13: memref<!tpu.dma_semaphore, #tpu.memory_space<semaphore_mem>>) attributes {dimension_semantics = [#tpu.dimension_semantics<core_parallel>, #tpu.dimension_semantics<subcore_parallel>], iteration_bounds = array<i64: 2, 16>, scalar_prefetch = 0 : i64, scratch_operands = 9 : i64, tpu.core_type = #tpu.core_type<sc_vector_subcore>, window_params = [{transform_indices = #map}, {transform_indices = #map1}, {transform_indices = #map1}]} {
    %mul3A = arith.constant 2 : i32
    %mul3A_0 = arith.muli %arg1, %mul3A : i32
    %add3A = arith.addi %mul3A_0, %arg0 : i32
    %mul3A_1 = arith.constant 102400 : i32
    %mul3A_2 = arith.muli %add3A, %mul3A_1 : i32
    "tpu.region"() ({
      %run_scoped3A = tpu.sem_alloc : memref<!tpu.dma_semaphore, #tpu.memory_space<semaphore_mem>>
      tpu.enqueue_dma source(%arg3 : memref<7x128xf32, #tpu.memory_space<hbm>>) target(%arg5 : memref<7x128xf32, #tpu.memory_space<vmem>>) target_semaphore(%run_scoped3A : memref<!tpu.dma_semaphore, #tpu.memory_space<semaphore_mem>>)
      tpu.wait_dma2 semaphore(%run_scoped3A : memref<!tpu.dma_semaphore, #tpu.memory_space<semaphore_mem>>) src(%arg3 : memref<7x128xf32, #tpu.memory_space<hbm>>) dst(%arg5 : memref<7x128xf32, #tpu.memory_space<vmem>>)
      tpu.yield
    }) : () -> ()
    %iota3A = tpu.iota {dimensions = array<i32: 0>} : vector<16xi32>
    %add3A_3 = arith.constant 0 : i32
    %add3A_4 = arith.addi %mul3A_2, %add3A_3 : i32
    %dma_start3A = tpu.memref_slice %arg2[%add3A_4] : memref<3276800xi32, #tpu.memory_space<hbm>> -> memref<400xi32, #tpu.memory_space<hbm>>
    %dma_start3A_5 = tpu.memref_slice %arg2[%add3A_4] : memref<3276800xi32, #tpu.memory_space<hbm>> -> memref<400xi32, #tpu.memory_space<hbm>>
    tpu.enqueue_dma source(%dma_start3A_5 : memref<400xi32, #tpu.memory_space<hbm>>) target(%arg6 : memref<400xi32, #tpu.memory_space<vmem>>) target_semaphore(%arg10 : memref<!tpu.dma_semaphore, #tpu.memory_space<semaphore_mem>>)
    %add3A_6 = arith.constant 400 : i32
    %add3A_7 = arith.addi %mul3A_2, %add3A_6 : i32
    %dma_start3A_8 = tpu.memref_slice %arg2[%add3A_7] : memref<3276800xi32, #tpu.memory_space<hbm>> -> memref<400xi32, #tpu.memory_space<hbm>>
    %dma_start3A_9 = tpu.memref_slice %arg2[%add3A_7] : memref<3276800xi32, #tpu.memory_space<hbm>> -> memref<400xi32, #tpu.memory_space<hbm>>
    tpu.enqueue_dma source(%dma_start3A_9 : memref<400xi32, #tpu.memory_space<hbm>>) target(%arg7 : memref<400xi32, #tpu.memory_space<vmem>>) target_semaphore(%arg11 : memref<!tpu.dma_semaphore, #tpu.memory_space<semaphore_mem>>)
    %scan3A = arith.constant 0 : i32
    %scan3A_10 = arith.constant 0 : i32
    %scan3A_11 = arith.constant 128 : i32
    %scan3A_12 = arith.addi %scan3A_10, %scan3A_11 : i32
    %scan3A_13 = arith.constant 1 : i32
    scf.for %scan3A_22 = %scan3A_10 to %scan3A_12 step %scan3A_13  : i32 {
      %mul3A_23 = arith.constant 2 : i32
      %mul3A_24 = arith.muli %mul3A_23, %scan3A_22 : i32
      %add3A_25 = arith.constant 0 : i32
      %add3A_26 = arith.addi %mul3A_24, %add3A_25 : i32
      %dma_wait3A_27 = tpu.memref_slice %arg2[%mul3A_2] : memref<3276800xi32, #tpu.memory_space<hbm>> -> memref<400xi32, #tpu.memory_space<hbm>>
      %dma_wait3A_28 = tpu.memref_slice %arg2[%mul3A_2] : memref<3276800xi32, #tpu.memory_space<hbm>> -> memref<400xi32, #tpu.memory_space<hbm>>
      tpu.wait_dma2 semaphore(%arg10 : memref<!tpu.dma_semaphore, #tpu.memory_space<semaphore_mem>>) src(%dma_wait3A_28 : memref<400xi32, #tpu.memory_space<hbm>>) dst(%arg6 : memref<400xi32, #tpu.memory_space<vmem>>)
      %gt3A = arith.constant 0 : i32
      %gt3A_29 = arith.cmpi sgt, %scan3A_22, %gt3A : i32
      %convert_element_type3A = arith.extui %gt3A_29 : i1 to i32
      %cond3A = arith.constant 0 : i32
      %cond3A_30 = arith.cmpi ne, %convert_element_type3A, %cond3A : i32
      scf.if %cond3A_30 {
        %dma_wait3A_74 = arith.constant 0 : i32
        %dma_wait3A_75 = tpu.memref_slice %arg4[%mul3A_2, %dma_wait3A_74] : memref<3276800x128xf32, #tpu.memory_space<hbm>> -> memref<400x128xf32, #tpu.memory_space<hbm>>
        %dma_wait3A_76 = arith.constant 0 : i32
        %dma_wait3A_77 = tpu.memref_slice %arg4[%mul3A_2, %dma_wait3A_76] : memref<3276800x128xf32, #tpu.memory_space<hbm>> -> memref<400x128xf32, #tpu.memory_space<hbm>>
        tpu.wait_dma2 semaphore(%arg12 : memref<!tpu.dma_semaphore, #tpu.memory_space<semaphore_mem>>) src(%arg8 : memref<400x128xf32, #tpu.memory_space<vmem>>) dst(%dma_wait3A_77 : memref<400x128xf32, #tpu.memory_space<hbm>>)
      } else {
      }
      %parallel_loop3A = arith.constant 0 : i32
      %parallel_loop3A_31 = arith.constant 400 : i32
      %parallel_loop3A_32 = arith.constant 1 : i32
      scf.for %parallel_loop3A_74 = %parallel_loop3A to %parallel_loop3A_31 step %parallel_loop3A_32  : i32 {
        %parallel_loop3A_75 = vector.broadcast %parallel_loop3A_74 : i32 to vector<16xi32>
        %parallel_loop3A_76 = tpu.vector_load_idx %arg6[%parallel_loop3A_75] : memref<400xi32, #tpu.memory_space<vmem>>[vector<16xi32>], vector<16xi32>,
        %parallel_loop3A_77 = arith.constant 0 : i32
        %parallel_loop3A_78 = vector.broadcast %parallel_loop3A_77 : i32 to vector<16xi32>
        %parallel_loop3A_79 = arith.addi %parallel_loop3A_78, %iota3A : vector<16xi32>
        %parallel_loop3A_80 = tpu.vector_load_idx %arg5[%parallel_loop3A_76, %parallel_loop3A_79] : memref<7x128xf32, #tpu.memory_space<vmem>>[vector<16xi32>, vector<16xi32>], vector<16xf32>,
        %parallel_loop3A_81 = arith.index_cast %parallel_loop3A_74 : i32 to index
        %parallel_loop3A_82 = arith.constant 0 : index
        %parallel_loop3A_83 = tpu.vector_load %arg8[%parallel_loop3A_81, %parallel_loop3A_82] {strides = array<i32>} : memref<400x128xf32, #tpu.memory_space<vmem>>, vector<16xf32>,
        tpu.vector_store %arg8[%parallel_loop3A_81, %parallel_loop3A_82], %parallel_loop3A_80 {strides = array<i32>} : memref<400x128xf32, #tpu.memory_space<vmem>>, vector<16xf32>,
        %parallel_loop3A_84 = arith.constant 16 : i32
        %parallel_loop3A_85 = vector.broadcast %parallel_loop3A_84 : i32 to vector<16xi32>
        %parallel_loop3A_86 = arith.addi %parallel_loop3A_85, %iota3A : vector<16xi32>
        %parallel_loop3A_87 = tpu.vector_load_idx %arg5[%parallel_loop3A_76, %parallel_loop3A_86] : memref<7x128xf32, #tpu.memory_space<vmem>>[vector<16xi32>, vector<16xi32>], vector<16xf32>,
        %parallel_loop3A_88 = arith.index_cast %parallel_loop3A_74 : i32 to index
        %parallel_loop3A_89 = arith.constant 16 : index
        %parallel_loop3A_90 = tpu.vector_load %arg8[%parallel_loop3A_88, %parallel_loop3A_89] {strides = array<i32>} : memref<400x128xf32, #tpu.memory_space<vmem>>, vector<16xf32>,
        tpu.vector_store %arg8[%parallel_loop3A_88, %parallel_loop3A_89], %parallel_loop3A_87 {strides = array<i32>} : memref<400x128xf32, #tpu.memory_space<vmem>>, vector<16xf32>,
        %parallel_loop3A_91 = arith.constant 32 : i32
        %parallel_loop3A_92 = vector.broadcast %parallel_loop3A_91 : i32 to vector<16xi32>
        %parallel_loop3A_93 = arith.addi %parallel_loop3A_92, %iota3A : vector<16xi32>
        %parallel_loop3A_94 = tpu.vector_load_idx %arg5[%parallel_loop3A_76, %parallel_loop3A_93] : memref<7x128xf32, #tpu.memory_space<vmem>>[vector<16xi32>, vector<16xi32>], vector<16xf32>,
        %parallel_loop3A_95 = arith.index_cast %parallel_loop3A_74 : i32 to index
        %parallel_loop3A_96 = arith.constant 32 : index
        %parallel_loop3A_97 = tpu.vector_load %arg8[%parallel_loop3A_95, %parallel_loop3A_96] {strides = array<i32>} : memref<400x128xf32, #tpu.memory_space<vmem>>, vector<16xf32>,
        tpu.vector_store %arg8[%parallel_loop3A_95, %parallel_loop3A_96], %parallel_loop3A_94 {strides = array<i32>} : memref<400x128xf32, #tpu.memory_space<vmem>>, vector<16xf32>,
        %parallel_loop3A_98 = arith.constant 48 : i32
        %parallel_loop3A_99 = vector.broadcast %parallel_loop3A_98 : i32 to vector<16xi32>
        %parallel_loop3A_100 = arith.addi %parallel_loop3A_99, %iota3A : vector<16xi32>
        %parallel_loop3A_101 = tpu.vector_load_idx %arg5[%parallel_loop3A_76, %parallel_loop3A_100] : memref<7x128xf32, #tpu.memory_space<vmem>>[vector<16xi32>, vector<16xi32>], vector<16xf32>,
        %parallel_loop3A_102 = arith.index_cast %parallel_loop3A_74 : i32 to index
        %parallel_loop3A_103 = arith.constant 48 : index
        %parallel_loop3A_104 = tpu.vector_load %arg8[%parallel_loop3A_102, %parallel_loop3A_103] {strides = array<i32>} : memref<400x128xf32, #tpu.memory_space<vmem>>, vector<16xf32>,
        tpu.vector_store %arg8[%parallel_loop3A_102, %parallel_loop3A_103], %parallel_loop3A_101 {strides = array<i32>} : memref<400x128xf32, #tpu.memory_space<vmem>>, vector<16xf32>,
        %parallel_loop3A_105 = arith.constant 64 : i32
        %parallel_loop3A_106 = vector.broadcast %parallel_loop3A_105 : i32 to vector<16xi32>
        %parallel_loop3A_107 = arith.addi %parallel_loop3A_106, %iota3A : vector<16xi32>
        %parallel_loop3A_108 = tpu.vector_load_idx %arg5[%parallel_loop3A_76, %parallel_loop3A_107] : memref<7x128xf32, #tpu.memory_space<vmem>>[vector<16xi32>, vector<16xi32>], vector<16xf32>,
        %parallel_loop3A_109 = arith.index_cast %parallel_loop3A_74 : i32 to index
        %parallel_loop3A_110 = arith.constant 64 : index
        %parallel_loop3A_111 = tpu.vector_load %arg8[%parallel_loop3A_109, %parallel_loop3A_110] {strides = array<i32>} : memref<400x128xf32, #tpu.memory_space<vmem>>, vector<16xf32>,
        tpu.vector_store %arg8[%parallel_loop3A_109, %parallel_loop3A_110], %parallel_loop3A_108 {strides = array<i32>} : memref<400x128xf32, #tpu.memory_space<vmem>>, vector<16xf32>,
        %parallel_loop3A_112 = arith.constant 80 : i32
        %parallel_loop3A_113 = vector.broadcast %parallel_loop3A_112 : i32 to vector<16xi32>
        %parallel_loop3A_114 = arith.addi %parallel_loop3A_113, %iota3A : vector<16xi32>
        %parallel_loop3A_115 = tpu.vector_load_idx %arg5[%parallel_loop3A_76, %parallel_loop3A_114] : memref<7x128xf32, #tpu.memory_space<vmem>>[vector<16xi32>, vector<16xi32>], vector<16xf32>,
        %parallel_loop3A_116 = arith.index_cast %parallel_loop3A_74 : i32 to index
        %parallel_loop3A_117 = arith.constant 80 : index
        %parallel_loop3A_118 = tpu.vector_load %arg8[%parallel_loop3A_116, %parallel_loop3A_117] {strides = array<i32>} : memref<400x128xf32, #tpu.memory_space<vmem>>, vector<16xf32>,
        tpu.vector_store %arg8[%parallel_loop3A_116, %parallel_loop3A_117], %parallel_loop3A_115 {strides = array<i32>} : memref<400x128xf32, #tpu.memory_space<vmem>>, vector<16xf32>,
        %parallel_loop3A_119 = arith.constant 96 : i32
        %parallel_loop3A_120 = vector.broadcast %parallel_loop3A_119 : i32 to vector<16xi32>
        %parallel_loop3A_121 = arith.addi %parallel_loop3A_120, %iota3A : vector<16xi32>
        %parallel_loop3A_122 = tpu.vector_load_idx %arg5[%parallel_loop3A_76, %parallel_loop3A_121] : memref<7x128xf32, #tpu.memory_space<vmem>>[vector<16xi32>, vector<16xi32>], vector<16xf32>,
        %parallel_loop3A_123 = arith.index_cast %parallel_loop3A_74 : i32 to index
        %parallel_loop3A_124 = arith.constant 96 : index
        %parallel_loop3A_125 = tpu.vector_load %arg8[%parallel_loop3A_123, %parallel_loop3A_124] {strides = array<i32>} : memref<400x128xf32, #tpu.memory_space<vmem>>, vector<16xf32>,
        tpu.vector_store %arg8[%parallel_loop3A_123, %parallel_loop3A_124], %parallel_loop3A_122 {strides = array<i32>} : memref<400x128xf32, #tpu.memory_space<vmem>>, vector<16xf32>,
        %parallel_loop3A_126 = arith.constant 112 : i32
        %parallel_loop3A_127 = vector.broadcast %parallel_loop3A_126 : i32 to vector<16xi32>
        %parallel_loop3A_128 = arith.addi %parallel_loop3A_127, %iota3A : vector<16xi32>
        %parallel_loop3A_129 = tpu.vector_load_idx %arg5[%parallel_loop3A_76, %parallel_loop3A_128] : memref<7x128xf32, #tpu.memory_space<vmem>>[vector<16xi32>, vector<16xi32>], vector<16xf32>,
        %parallel_loop3A_130 = arith.index_cast %parallel_loop3A_74 : i32 to index
        %parallel_loop3A_131 = arith.constant 112 : index
        %parallel_loop3A_132 = tpu.vector_load %arg8[%parallel_loop3A_130, %parallel_loop3A_131] {strides = array<i32>} : memref<400x128xf32, #tpu.memory_space<vmem>>, vector<16xf32>,
        tpu.vector_store %arg8[%parallel_loop3A_130, %parallel_loop3A_131], %parallel_loop3A_129 {strides = array<i32>} : memref<400x128xf32, #tpu.memory_space<vmem>>, vector<16xf32>,
      } {sc.loop_unroll_factor = 4 : i64, sc.parallel_access}
      %mul3A_33 = arith.constant 400 : i32
      %mul3A_34 = arith.muli %add3A_26, %mul3A_33 : i32
      %add3A_35 = arith.addi %mul3A_2, %mul3A_34 : i32
      %dma_start3A_36 = arith.constant 0 : i32
      %dma_start3A_37 = tpu.memref_slice %arg4[%add3A_35, %dma_start3A_36] : memref<3276800x128xf32, #tpu.memory_space<hbm>> -> memref<400x128xf32, #tpu.memory_space<hbm>>
      %dma_start3A_38 = arith.constant 0 : i32
      %dma_start3A_39 = tpu.memref_slice %arg4[%add3A_35, %dma_start3A_38] : memref<3276800x128xf32, #tpu.memory_space<hbm>> -> memref<400x128xf32, #tpu.memory_space<hbm>>
      tpu.enqueue_dma source(%arg8 : memref<400x128xf32, #tpu.memory_space<vmem>>) target(%dma_start3A_39 : memref<400x128xf32, #tpu.memory_space<hbm>>) target_semaphore(%arg12 : memref<!tpu.dma_semaphore, #tpu.memory_space<semaphore_mem>>)
      %add3A_40 = arith.constant 2 : i32
      %add3A_41 = arith.addi %add3A_26, %add3A_40 : i32
      %lt3A = arith.constant 256 : i32
      %lt3A_42 = arith.cmpi slt, %add3A_41, %lt3A : i32
      %convert_element_type3A_43 = arith.extui %lt3A_42 : i1 to i32
      %cond3A_44 = arith.constant 0 : i32
      %cond3A_45 = arith.cmpi ne, %convert_element_type3A_43, %cond3A_44 : i32
      scf.if %cond3A_45 {
        %add3A_74 = arith.constant 2 : i32
        %add3A_75 = arith.addi %add3A_26, %add3A_74 : i32
        %mul3A_76 = arith.constant 400 : i32
        %mul3A_77 = arith.muli %add3A_75, %mul3A_76 : i32
        %add3A_78 = arith.addi %mul3A_2, %mul3A_77 : i32
        %dma_start3A_79 = tpu.memref_slice %arg2[%add3A_78] : memref<3276800xi32, #tpu.memory_space<hbm>> -> memref<400xi32, #tpu.memory_space<hbm>>
        %dma_start3A_80 = tpu.memref_slice %arg2[%add3A_78] : memref<3276800xi32, #tpu.memory_space<hbm>> -> memref<400xi32, #tpu.memory_space<hbm>>
        tpu.enqueue_dma source(%dma_start3A_80 : memref<400xi32, #tpu.memory_space<hbm>>) target(%arg6 : memref<400xi32, #tpu.memory_space<vmem>>) target_semaphore(%arg10 : memref<!tpu.dma_semaphore, #tpu.memory_space<semaphore_mem>>)
      } else {
      }
      %mul3A_46 = arith.constant 2 : i32
      %mul3A_47 = arith.muli %mul3A_46, %scan3A_22 : i32
      %add3A_48 = arith.constant 1 : i32
      %add3A_49 = arith.addi %mul3A_47, %add3A_48 : i32
      %dma_wait3A_50 = tpu.memref_slice %arg2[%mul3A_2] : memref<3276800xi32, #tpu.memory_space<hbm>> -> memref<400xi32, #tpu.memory_space<hbm>>
      %dma_wait3A_51 = tpu.memref_slice %arg2[%mul3A_2] : memref<3276800xi32, #tpu.memory_space<hbm>> -> memref<400xi32, #tpu.memory_space<hbm>>
      tpu.wait_dma2 semaphore(%arg11 : memref<!tpu.dma_semaphore, #tpu.memory_space<semaphore_mem>>) src(%dma_wait3A_51 : memref<400xi32, #tpu.memory_space<hbm>>) dst(%arg7 : memref<400xi32, #tpu.memory_space<vmem>>)
      %gt3A_52 = arith.constant 0 : i32
      %gt3A_53 = arith.cmpi sgt, %scan3A_22, %gt3A_52 : i32
      %convert_element_type3A_54 = arith.extui %gt3A_53 : i1 to i32
      %cond3A_55 = arith.constant 0 : i32
      %cond3A_56 = arith.cmpi ne, %convert_element_type3A_54, %cond3A_55 : i32
      scf.if %cond3A_56 {
        %dma_wait3A_74 = arith.constant 0 : i32
        %dma_wait3A_75 = tpu.memref_slice %arg4[%mul3A_2, %dma_wait3A_74] : memref<3276800x128xf32, #tpu.memory_space<hbm>> -> memref<400x128xf32, #tpu.memory_space<hbm>>
        %dma_wait3A_76 = arith.constant 0 : i32
        %dma_wait3A_77 = tpu.memref_slice %arg4[%mul3A_2, %dma_wait3A_76] : memref<3276800x128xf32, #tpu.memory_space<hbm>> -> memref<400x128xf32, #tpu.memory_space<hbm>>
        tpu.wait_dma2 semaphore(%arg13 : memref<!tpu.dma_semaphore, #tpu.memory_space<semaphore_mem>>) src(%arg9 : memref<400x128xf32, #tpu.memory_space<vmem>>) dst(%dma_wait3A_77 : memref<400x128xf32, #tpu.memory_space<hbm>>)
      } else {
      }
      %parallel_loop3A_57 = arith.constant 0 : i32
      %parallel_loop3A_58 = arith.constant 400 : i32
      %parallel_loop3A_59 = arith.constant 1 : i32
      scf.for %parallel_loop3A_74 = %parallel_loop3A_57 to %parallel_loop3A_58 step %parallel_loop3A_59  : i32 {
        %parallel_loop3A_75 = vector.broadcast %parallel_loop3A_74 : i32 to vector<16xi32>
        %parallel_loop3A_76 = tpu.vector_load_idx %arg7[%parallel_loop3A_75] : memref<400xi32, #tpu.memory_space<vmem>>[vector<16xi32>], vector<16xi32>,
        %parallel_loop3A_77 = arith.constant 0 : i32
        %parallel_loop3A_78 = vector.broadcast %parallel_loop3A_77 : i32 to vector<16xi32>
        %parallel_loop3A_79 = arith.addi %parallel_loop3A_78, %iota3A : vector<16xi32>
        %parallel_loop3A_80 = tpu.vector_load_idx %arg5[%parallel_loop3A_76, %parallel_loop3A_79] : memref<7x128xf32, #tpu.memory_space<vmem>>[vector<16xi32>, vector<16xi32>], vector<16xf32>,
        %parallel_loop3A_81 = arith.index_cast %parallel_loop3A_74 : i32 to index
        %parallel_loop3A_82 = arith.constant 0 : index
        %parallel_loop3A_83 = tpu.vector_load %arg9[%parallel_loop3A_81, %parallel_loop3A_82] {strides = array<i32>} : memref<400x128xf32, #tpu.memory_space<vmem>>, vector<16xf32>,
        tpu.vector_store %arg9[%parallel_loop3A_81, %parallel_loop3A_82], %parallel_loop3A_80 {strides = array<i32>} : memref<400x128xf32, #tpu.memory_space<vmem>>, vector<16xf32>,
        %parallel_loop3A_84 = arith.constant 16 : i32
        %parallel_loop3A_85 = vector.broadcast %parallel_loop3A_84 : i32 to vector<16xi32>
        %parallel_loop3A_86 = arith.addi %parallel_loop3A_85, %iota3A : vector<16xi32>
        %parallel_loop3A_87 = tpu.vector_load_idx %arg5[%parallel_loop3A_76, %parallel_loop3A_86] : memref<7x128xf32, #tpu.memory_space<vmem>>[vector<16xi32>, vector<16xi32>], vector<16xf32>,
        %parallel_loop3A_88 = arith.index_cast %parallel_loop3A_74 : i32 to index
        %parallel_loop3A_89 = arith.constant 16 : index
        %parallel_loop3A_90 = tpu.vector_load %arg9[%parallel_loop3A_88, %parallel_loop3A_89] {strides = array<i32>} : memref<400x128xf32, #tpu.memory_space<vmem>>, vector<16xf32>,
        tpu.vector_store %arg9[%parallel_loop3A_88, %parallel_loop3A_89], %parallel_loop3A_87 {strides = array<i32>} : memref<400x128xf32, #tpu.memory_space<vmem>>, vector<16xf32>,
        %parallel_loop3A_91 = arith.constant 32 : i32
        %parallel_loop3A_92 = vector.broadcast %parallel_loop3A_91 : i32 to vector<16xi32>
        %parallel_loop3A_93 = arith.addi %parallel_loop3A_92, %iota3A : vector<16xi32>
        %parallel_loop3A_94 = tpu.vector_load_idx %arg5[%parallel_loop3A_76, %parallel_loop3A_93] : memref<7x128xf32, #tpu.memory_space<vmem>>[vector<16xi32>, vector<16xi32>], vector<16xf32>,
        %parallel_loop3A_95 = arith.index_cast %parallel_loop3A_74 : i32 to index
        %parallel_loop3A_96 = arith.constant 32 : index
        %parallel_loop3A_97 = tpu.vector_load %arg9[%parallel_loop3A_95, %parallel_loop3A_96] {strides = array<i32>} : memref<400x128xf32, #tpu.memory_space<vmem>>, vector<16xf32>,
        tpu.vector_store %arg9[%parallel_loop3A_95, %parallel_loop3A_96], %parallel_loop3A_94 {strides = array<i32>} : memref<400x128xf32, #tpu.memory_space<vmem>>, vector<16xf32>,
        %parallel_loop3A_98 = arith.constant 48 : i32
        %parallel_loop3A_99 = vector.broadcast %parallel_loop3A_98 : i32 to vector<16xi32>
        %parallel_loop3A_100 = arith.addi %parallel_loop3A_99, %iota3A : vector<16xi32>
        %parallel_loop3A_101 = tpu.vector_load_idx %arg5[%parallel_loop3A_76, %parallel_loop3A_100] : memref<7x128xf32, #tpu.memory_space<vmem>>[vector<16xi32>, vector<16xi32>], vector<16xf32>,
        %parallel_loop3A_102 = arith.index_cast %parallel_loop3A_74 : i32 to index
        %parallel_loop3A_103 = arith.constant 48 : index
        %parallel_loop3A_104 = tpu.vector_load %arg9[%parallel_loop3A_102, %parallel_loop3A_103] {strides = array<i32>} : memref<400x128xf32, #tpu.memory_space<vmem>>, vector<16xf32>,
        tpu.vector_store %arg9[%parallel_loop3A_102, %parallel_loop3A_103], %parallel_loop3A_101 {strides = array<i32>} : memref<400x128xf32, #tpu.memory_space<vmem>>, vector<16xf32>,
        %parallel_loop3A_105 = arith.constant 64 : i32
        %parallel_loop3A_106 = vector.broadcast %parallel_loop3A_105 : i32 to vector<16xi32>
        %parallel_loop3A_107 = arith.addi %parallel_loop3A_106, %iota3A : vector<16xi32>
        %parallel_loop3A_108 = tpu.vector_load_idx %arg5[%parallel_loop3A_76, %parallel_loop3A_107] : memref<7x128xf32, #tpu.memory_space<vmem>>[vector<16xi32>, vector<16xi32>], vector<16xf32>,
        %parallel_loop3A_109 = arith.index_cast %parallel_loop3A_74 : i32 to index
        %parallel_loop3A_110 = arith.constant 64 : index
        %parallel_loop3A_111 = tpu.vector_load %arg9[%parallel_loop3A_109, %parallel_loop3A_110] {strides = array<i32>} : memref<400x128xf32, #tpu.memory_space<vmem>>, vector<16xf32>,
        tpu.vector_store %arg9[%parallel_loop3A_109, %parallel_loop3A_110], %parallel_loop3A_108 {strides = array<i32>} : memref<400x128xf32, #tpu.memory_space<vmem>>, vector<16xf32>,
        %parallel_loop3A_112 = arith.constant 80 : i32
        %parallel_loop3A_113 = vector.broadcast %parallel_loop3A_112 : i32 to vector<16xi32>
        %parallel_loop3A_114 = arith.addi %parallel_loop3A_113, %iota3A : vector<16xi32>
        %parallel_loop3A_115 = tpu.vector_load_idx %arg5[%parallel_loop3A_76, %parallel_loop3A_114] : memref<7x128xf32, #tpu.memory_space<vmem>>[vector<16xi32>, vector<16xi32>], vector<16xf32>,
        %parallel_loop3A_116 = arith.index_cast %parallel_loop3A_74 : i32 to index
        %parallel_loop3A_117 = arith.constant 80 : index
        %parallel_loop3A_118 = tpu.vector_load %arg9[%parallel_loop3A_116, %parallel_loop3A_117] {strides = array<i32>} : memref<400x128xf32, #tpu.memory_space<vmem>>, vector<16xf32>,
        tpu.vector_store %arg9[%parallel_loop3A_116, %parallel_loop3A_117], %parallel_loop3A_115 {strides = array<i32>} : memref<400x128xf32, #tpu.memory_space<vmem>>, vector<16xf32>,
        %parallel_loop3A_119 = arith.constant 96 : i32
        %parallel_loop3A_120 = vector.broadcast %parallel_loop3A_119 : i32 to vector<16xi32>
        %parallel_loop3A_121 = arith.addi %parallel_loop3A_120, %iota3A : vector<16xi32>
        %parallel_loop3A_122 = tpu.vector_load_idx %arg5[%parallel_loop3A_76, %parallel_loop3A_121] : memref<7x128xf32, #tpu.memory_space<vmem>>[vector<16xi32>, vector<16xi32>], vector<16xf32>,
        %parallel_loop3A_123 = arith.index_cast %parallel_loop3A_74 : i32 to index
        %parallel_loop3A_124 = arith.constant 96 : index
        %parallel_loop3A_125 = tpu.vector_load %arg9[%parallel_loop3A_123, %parallel_loop3A_124] {strides = array<i32>} : memref<400x128xf32, #tpu.memory_space<vmem>>, vector<16xf32>,
        tpu.vector_store %arg9[%parallel_loop3A_123, %parallel_loop3A_124], %parallel_loop3A_122 {strides = array<i32>} : memref<400x128xf32, #tpu.memory_space<vmem>>, vector<16xf32>,
        %parallel_loop3A_126 = arith.constant 112 : i32
        %parallel_loop3A_127 = vector.broadcast %parallel_loop3A_126 : i32 to vector<16xi32>
        %parallel_loop3A_128 = arith.addi %parallel_loop3A_127, %iota3A : vector<16xi32>
        %parallel_loop3A_129 = tpu.vector_load_idx %arg5[%parallel_loop3A_76, %parallel_loop3A_128] : memref<7x128xf32, #tpu.memory_space<vmem>>[vector<16xi32>, vector<16xi32>], vector<16xf32>,
        %parallel_loop3A_130 = arith.index_cast %parallel_loop3A_74 : i32 to index
        %parallel_loop3A_131 = arith.constant 112 : index
        %parallel_loop3A_132 = tpu.vector_load %arg9[%parallel_loop3A_130, %parallel_loop3A_131] {strides = array<i32>} : memref<400x128xf32, #tpu.memory_space<vmem>>, vector<16xf32>,
        tpu.vector_store %arg9[%parallel_loop3A_130, %parallel_loop3A_131], %parallel_loop3A_129 {strides = array<i32>} : memref<400x128xf32, #tpu.memory_space<vmem>>, vector<16xf32>,
      } {sc.loop_unroll_factor = 4 : i64, sc.parallel_access}
      %mul3A_60 = arith.constant 400 : i32
      %mul3A_61 = arith.muli %add3A_49, %mul3A_60 : i32
      %add3A_62 = arith.addi %mul3A_2, %mul3A_61 : i32
      %dma_start3A_63 = arith.constant 0 : i32
      %dma_start3A_64 = tpu.memref_slice %arg4[%add3A_62, %dma_start3A_63] : memref<3276800x128xf32, #tpu.memory_space<hbm>> -> memref<400x128xf32, #tpu.memory_space<hbm>>
      %dma_start3A_65 = arith.constant 0 : i32
      %dma_start3A_66 = tpu.memref_slice %arg4[%add3A_62, %dma_start3A_65] : memref<3276800x128xf32, #tpu.memory_space<hbm>> -> memref<400x128xf32, #tpu.memory_space<hbm>>
      tpu.enqueue_dma source(%arg9 : memref<400x128xf32, #tpu.memory_space<vmem>>) target(%dma_start3A_66 : memref<400x128xf32, #tpu.memory_space<hbm>>) target_semaphore(%arg13 : memref<!tpu.dma_semaphore, #tpu.memory_space<semaphore_mem>>)
      %add3A_67 = arith.constant 2 : i32
      %add3A_68 = arith.addi %add3A_49, %add3A_67 : i32
      %lt3A_69 = arith.constant 256 : i32
      %lt3A_70 = arith.cmpi slt, %add3A_68, %lt3A_69 : i32
      %convert_element_type3A_71 = arith.extui %lt3A_70 : i1 to i32
      %cond3A_72 = arith.constant 0 : i32
      %cond3A_73 = arith.cmpi ne, %convert_element_type3A_71, %cond3A_72 : i32
      scf.if %cond3A_73 {
        %add3A_74 = arith.constant 2 : i32
        %add3A_75 = arith.addi %add3A_49, %add3A_74 : i32
        %mul3A_76 = arith.constant 400 : i32
        %mul3A_77 = arith.muli %add3A_75, %mul3A_76 : i32
        %add3A_78 = arith.addi %mul3A_2, %mul3A_77 : i32
        %dma_start3A_79 = tpu.memref_slice %arg2[%add3A_78] : memref<3276800xi32, #tpu.memory_space<hbm>> -> memref<400xi32, #tpu.memory_space<hbm>>
        %dma_start3A_80 = tpu.memref_slice %arg2[%add3A_78] : memref<3276800xi32, #tpu.memory_space<hbm>> -> memref<400xi32, #tpu.memory_space<hbm>>
        tpu.enqueue_dma source(%dma_start3A_80 : memref<400xi32, #tpu.memory_space<hbm>>) target(%arg7 : memref<400xi32, #tpu.memory_space<vmem>>) target_semaphore(%arg11 : memref<!tpu.dma_semaphore, #tpu.memory_space<semaphore_mem>>)
      } else {
      }
    }
    %scan3A_14 = arith.constant 128 : i32
    %dma_wait3A = arith.constant 0 : i32
    %dma_wait3A_15 = tpu.memref_slice %arg4[%mul3A_2, %dma_wait3A] : memref<3276800x128xf32, #tpu.memory_space<hbm>> -> memref<400x128xf32, #tpu.memory_space<hbm>>
    %dma_wait3A_16 = arith.constant 0 : i32
    %dma_wait3A_17 = tpu.memref_slice %arg4[%mul3A_2, %dma_wait3A_16] : memref<3276800x128xf32, #tpu.memory_space<hbm>> -> memref<400x128xf32, #tpu.memory_space<hbm>>
    tpu.wait_dma2 semaphore(%arg12 : memref<!tpu.dma_semaphore, #tpu.memory_space<semaphore_mem>>) src(%arg8 : memref<400x128xf32, #tpu.memory_space<vmem>>) dst(%dma_wait3A_17 : memref<400x128xf32, #tpu.memory_space<hbm>>)
    %dma_wait3A_18 = arith.constant 0 : i32
    %dma_wait3A_19 = tpu.memref_slice %arg4[%mul3A_2, %dma_wait3A_18] : memref<3276800x128xf32, #tpu.memory_space<hbm>> -> memref<400x128xf32, #tpu.memory_space<hbm>>
    %dma_wait3A_20 = arith.constant 0 : i32
    %dma_wait3A_21 = tpu.memref_slice %arg4[%mul3A_2, %dma_wait3A_20] : memref<3276800x128xf32, #tpu.memory_space<hbm>> -> memref<400x128xf32, #tpu.memory_space<hbm>>
    tpu.wait_dma2 semaphore(%arg13 : memref<!tpu.dma_semaphore, #tpu.memory_space<semaphore_mem>>) src(%arg9 : memref<400x128xf32, #tpu.memory_space<vmem>>) dst(%dma_wait3A_21 : memref<400x128xf32, #tpu.memory_space<hbm>>)
    return
  }
}

</mosaic_0001>

<sc_bundles>
// kernel: kernel.3.cloned.1.call-start
scs
__scs_entry_jumppad:
0x0: {  	(pc) =	sbr.rel $0x88, $3  }
0x1: {  	(tag) =	ssettag $0x0;
	lr =	simm.s32 $0x1  }
0x2: {  	[smem:$0x3F9F] =	sst lr;
	_ =	strace $0xD0000000  }
0x3: {  	_ = 	snop  }
0x4: {  	_ = 	snop  }
0x5: {  	_ = 	snop  }
0x6: {  	_ = 	snop  }
0x7: {  	_ = 	snop  }
__scs_overlays_trampoline_lowered:
0x8: {  	[smem:$0x3FAE] =	sst s0  }
0x9: {  	[smem:$0x3FAF] =	sst s1  }
0xa: {  	[smem:$0x3FB0] =	sst s2  }
0xb: {  	[smem:$0x3FB1] =	sst s3  }
0xc: {  	[smem:$0x3FB2] =	sst s4  }
0xd: {  	[smem:$0x3FB3] =	sst s5  }
0xe: {  	[smem:$0x3FB4] =	sst s6  }
0xf: {  	[smem:$0x3FB5] =	sst s7  }
0x10: {  	[smem:$0x3FB6] =	sst s8  }
0x11: {  	[smem:$0x3FB7] =	sst s9;
	s0 =	simm.s32 @!p0 $0x0  }
0x12: {  	s1 =	sld [smem:$0x3F9D];
	s0 =	simm.s32 @p0 $0x1  }
0x13: {  	[smem:$0x3FB8] =	sst s0;
	s0 =	simm.s32 @!p1 $0x0  }
0x14: {  	s2 =	sld [smem:$0x3F9C];
	s0 =	simm.s32 @p1 $0x1  }
0x15: {  	[smem:$0x3FB9] =	sst s0;
	s0 =	simm.s32 @!p2 $0x0  }
0x16: {  	s3 =	sld [smem:$0x3FDB];
	s0 =	simm.s32 @p2 $0x1  }
0x17: {  	s4 =	simm.s32 $0x1BF5;
	[smem:$0x3FBB] =	sst s0  }
0x18: {  	s0 =	sld [smem:$0x3F9E];
	_ =	swait.ge [sflag:s4], $0x0  }
0x19: {  	s7 =	sld [smem:$0x3F9F]  }
0x1a: {  	s8 =	sadd.s32 $0xFFFFE003, lr  }
0x1b: {  	s9 =	sadd.s32 $0xFFFFFEF7, lr;
	s5 =	simm.s32 $0xFFFFFFFF;
	p2 =	slt.u32 s8, $0xFFFFF086  }
0x1c: {  	p1 =	slt.u32 s9, $0xF7A;
	s5 =	simm.s32 @!p2 $0x0  }
0x1d: {  	s5 =	simm.s32 @p1 $0x1;
	p0 =	seq.s32 s7, s2  }
0x1e: {  	s7 =	smul.u32 @!p0 $0xF7A, s2;
	p2 =	seq.s32 @!p0 s5, $0x0  }
0x1f: {  	s9 =	smul.u32 $0xF7A, s1;
	s8 =	simm.s32 @!p0 $0x1BF5;
	p2 =	por !p2, p0  }
0x20: {  	[sflag:s8] =	ssyncset.s32 @!p0 $0xFFFFF086;
	s6 =	sadd.s32 @!p0 s3, s7;
	s7 =	simm.s32 @!p0 $0x108  }
0x21: {  	s3 =	sadd.s32 s3, s9;
	s6 =	sadd.s32 @!p0 $0x88, s6;
	s7 =	simm.s32 @p2 $0x1082  }
0x22: {  	[simem:s7], [sflag:s8] =	dma.local @!p0 [hbm:s6], $0xF7A  }
0x23: {  	s9 =	sor.u32 $0xD0000000, s2;
	s6 =	simm.s32 $0x108;
	_ =	swait.ge @!p0 [sflag:s8], $0x0  }
0x24: {  	s3 =	sadd.s32 $0x88, s3;
	s6 =	simm.s32 @!p1 $0x1082;
	[sflag:s4] =	ssyncset.s32 $0xFFFFF086  }
0x25: {  	[simem:s6], [sflag:s4] =	dma.local [hbm:s3], $0xF7A  }
0x26: {  	[smem:$0x3F9F] =	sst s1;
	(tag) =	ssettag s2;
	_ =	strace s9  }
0x27: {  	s1 =	sld [smem:$0x3FAF]  }
0x28: {  	s2 =	sld [smem:$0x3FB0]  }
0x29: {  	s4 =	sld [smem:$0x3FB2]  }
0x2a: {  	p0 =	seq.s32 s5, $0x0;
	s5 =	sld [smem:$0x3FB3]  }
0x2b: {  	s6 =	sld [smem:$0x3FB4]  }
0x2c: {  	s7 =	sld [smem:$0x3FB5]  }
0x2d: {  	s3 =	simm.s32 $0x108;
	s8 =	sld [smem:$0x3FB6]  }
0x2e: {  	s3 =	simm.s32 @!p0 $0x1082;
	s9 =	sld [smem:$0x3FB7]  }
0x2f: {  	lr =	sadd.s32 s0, s3;
	s0 =	sld [smem:$0x3FAE]  }
0x30: {  	s3 =	sld [smem:$0x3FB1]  }
0x31: {  	[smem:$0x3FBA] =	sst s10  }
0x32: {  	s10 =	sld [smem:$0x3FB8];
	_ =	sdelay $0x3  }
0x33: {  	p0 =	seq.s32 s10, $0x1;
	s10 =	sld [smem:$0x3FBA];
	_ =	sdelay $0x3  }
0x34: {  	[smem:$0x3FBA] =	sst s10  }
0x35: {  	s10 =	sld [smem:$0x3FB9];
	_ =	sdelay $0x3  }
0x36: {  	p1 =	seq.s32 s10, $0x1;
	s10 =	sld [smem:$0x3FBA];
	_ =	sdelay $0x3  }
0x37: {  	[smem:$0x3FBA] =	sst s10  }
0x38: {  	s10 =	sld [smem:$0x3FBB]  }
0x39: {  	_ = 	snop;
	(pc) =	sbr.ind lr, $3  }
0x3a: {  	_ = 	snop  }
0x3b: {  	_ = 	snop  }
0x3c: {  	p2 =	seq.s32 s10, $0x1;
	s10 =	sld [smem:$0x3FBA]  }
0x3d: {  	_ =	shalt  }
0x3e: {  	_ =	shalt  }
0x3f: {  	_ =	shalt  }
0x40: {  	_ =	shalt  }
0x41: {  	_ =	shalt  }
0x42: {  	_ =	shalt  }
0x43: {  	_ =	shalt  }
0x44: {  	_ =	shalt  }
0x45: {  	_ =	shalt  }
0x46: {  	_ =	shalt  }
0x47: {  	_ =	shalt  }
0x48: {  	_ =	shalt  }
0x49: {  	_ =	shalt  }
0x4a: {  	_ =	shalt  }
0x4b: {  	_ =	shalt  }
0x4c: {  	_ =	shalt  }
0x4d: {  	_ =	shalt  }
0x4e: {  	_ =	shalt  }
0x4f: {  	_ =	shalt  }
0x50: {  	_ =	shalt  }
0x51: {  	_ =	shalt  }
0x52: {  	_ =	shalt  }
0x53: {  	_ =	shalt  }
0x54: {  	_ =	shalt  }
0x55: {  	_ =	shalt  }
0x56: {  	_ =	shalt  }
0x57: {  	_ =	shalt  }
0x58: {  	_ =	shalt  }
0x59: {  	_ =	shalt  }
0x5a: {  	_ =	shalt  }
0x5b: {  	_ =	shalt  }
0x5c: {  	_ =	shalt  }
0x5d: {  	_ =	shalt  }
0x5e: {  	_ =	shalt  }
0x5f: {  	_ =	shalt  }
0x60: {  	_ =	shalt  }
0x61: {  	_ =	shalt  }
0x62: {  	_ =	shalt  }
0x63: {  	_ =	shalt  }
0x64: {  	_ =	shalt  }
0x65: {  	_ =	shalt  }
0x66: {  	_ =	shalt  }
0x67: {  	_ =	shalt  }
0x68: {  	_ =	shalt  }
0x69: {  	_ =	shalt  }
0x6a: {  	_ =	shalt  }
0x6b: {  	_ =	shalt  }
0x6c: {  	_ =	shalt  }
0x6d: {  	_ =	shalt  }
0x6e: {  	_ =	shalt  }
0x6f: {  	_ =	shalt  }
0x70: {  	_ =	shalt  }
0x71: {  	_ =	shalt  }
0x72: {  	_ =	shalt  }
0x73: {  	_ =	shalt  }
0x74: {  	_ =	shalt  }
0x75: {  	_ =	shalt  }
0x76: {  	_ =	shalt  }
0x77: {  	_ =	shalt  }
0x78: {  	_ =	shalt  }
0x79: {  	_ =	shalt  }
0x7a: {  	_ =	shalt  }
0x7b: {  	_ =	shalt  }
0x7c: {  	_ =	shalt  }
0x7d: {  	_ =	shalt  }
0x7e: {  	_ =	shalt  }
0x7f: {  	_ =	shalt  }
0x80: {  	_ =	shalt  }
0x81: {  	_ =	shalt  }
0x82: {  	_ =	shalt  }
0x83: {  	_ =	shalt  }
0x84: {  	_ =	shalt  }
0x85: {  	_ =	shalt  }
0x86: {  	_ =	shalt  }
0x87: {  	_ =	shalt  }
.Lfunc_end0:
.L_simem_size_0:
called_computation_lowered:
.L_overlay_start_0:
0x88: {  	s2 =	sld [smem:$0x3FD9]  }
0x89: {  	s3 =	sld [smem:$0x3FFE];
	_ =	sdelay $0x1  }
0x8a: {  	s1 =	srdreg.scid  }
0x8b: {  	s0 =	sand.u32 $0x1, s1  }
0x8c: {  	s17 =	sshll.u32 s0, $0xA;
	s2 =	sadd.s32 s3, s2  }
0x8d: {  	s2 =	sadd.s32 s2, s17  }
0x8e: {  	[smem:$0x3FC6] =	sst s2  }
0x8f: {  	_ = 	snop  }
0x90: {  	s2 =	sld [smem:$0x3FC8]  }
0x91: {  	s18 =	sld [smem:$0x3FD0];
	(tm) =	ssettm $0x1  }
0x92: {  	s4 =	sld [smem:$0x3FFB];
	_ =	sdelay $0x3  }
0x93: {  	_ =	strace s4  }
0x94: {  	s4 =	sld [smem:$0x3FFC];
	_ =	sdelay $0x3  }
0x95: {  	_ =	strace s4  }
0x96: {  	s4 =	sld [smem:$0x3FFD];
	_ =	sdelay $0x3  }
0x97: {  	_ =	strace s4  }
0x98: {  	_ =	strace $0x8FFFFFFF  }
0x99: {  	s19 =	sld [smem:$0x3FDB];
	_ =	sdelay $0x1  }
0x9a: {  	s5 =	simm.s32 $_scs_section_size  }
0x9b: {  	s6 =	simm.s32 $_size__tile_overlayer_lowered;
	s7 =	simm.s32 $_tile_overlayer_lowered  }
0x9c: {  	s22 =	simm.s32 $0x1BFF;
	s21 =	sshll.u32 s7, $0x1;
	s4 =	sadd.s32 s5, s19  }
0x9d: {  	s8 =	simm.s32 $0x0;
	s20 =	sshll.u32 s6, $0x1;
	s6 =	sadd.s32 s21, s4  }
0x9e: {  	[timem:s8], [sflag:s22] =	dma.local [hbm:s6], s20  }
0x9f: {  	_ =	swait.ge [sflag:s22], s20  }
0xa0: {  	s5 =	ssub.s32 $0x0, s20;
	[sflag:s22] =	ssyncset.done $0x0  }
0xa1: {  	[sflag:s22] =	ssyncadd.s32 s5;
	_ =	sdelay $0x1  }
0xa2: {  	s23 =	simm.s32 $0x1B8B  }
0xa3: {  	_ =	swait.ge [sflag:s23], $0x1  }
0xa4: {  	[sflag:s23] =	ssyncset.done $0x0  }
0xa5: {  	s25 =	simm.s32 $0x1B8E;
	s24 =	sld [smem:$0x3FFE];
	[sflag:s23] =	ssyncadd.s32 $0xFFFFFFFF  }
0xa6: {  	s26 =	simm.s32 $execute0_lowered;
	[smem:$0x3FD2] =	sst s25  }
0xa7: {  	s6 =	sshll.u32 s26, $0x1;
	_ =	strace $0x80000046;
	[dreg:$0x1] =	wrdreg $0xFFFFFFFF  }
0xa8: {  	s28 =	simm.s32 $_size_execute0_lowered;
	s4 =	sadd.s32 s4, s6;
	[dreg:$0x0] =	wrdreg $0x0  }
0xa9: {  	s6 =	sshll.u32 s28, $0x1;
	[dreg:$0x2] =	wrdreg s4  }
0xaa: {  	[dreg:$0x3] =	wrdreg s6  }
0xab: {  	[dreg:$0x4] =	wrdreg $0xC0  }
0xac: {  	_ =	task [dreg:s8], $0x5FFFF  }
0xad: {  	[dreg:$0x1] =	wrdreg $0xFFFFFFFF  }
0xae: {  	[dreg:$0x0] =	wrdreg $0x60  }
0xaf: {  	[dreg:$0x2] =	wrdreg s24  }
0xb0: {  	[dreg:$0x3] =	wrdreg s2  }
0xb1: {  	[dreg:$0x4] =	wrdreg s18  }
0xb2: {  	[dreg:$0x5] =	wrdreg $0x9  }
0xb3: {  	_ =	task.clear_ibuf [dreg:s8], $0x6FFFF;
	_ =	strace $0x90000046  }
0xb4: {  	s29 =	simm.s32 $0x9;
	_ =	strace $0x80000048  }
0xb5: {  	_ =	swait.ge [sflag:s29], $0x1  }
0xb6: {  	[sflag:s29] =	ssyncadd.s32 $0xFFFFFFFF  }
0xb7: {  	_ =	strace $0x90000048  }
0xb8: {  	_ =	sfence  }
0xb9: {  	s30 =	sld [smem:$0x0];
	_ =	sdelay $0x2  }
0xba: {  	s31 =	sshll.u32 s1, $0xD;
	s1 =	sshrl.u32 s1, $0x2  }
0xbb: {  	s3 =	sand.u32 $0x4000, s31;
	s1 =	sadd.s32 s1, s30  }
0xbc: {  	s0 =	sor.u32 s3, s0;
	s1 =	sshll.u32 s1, $0x11  }
0xbd: {  	s0 =	sor.u32 s1, s0  }
0xbe: {  	s0 =	sadd.s32 $0x8F2B, s0  }
0xbf: {  	[sflag:s0] =	ssyncadd.remote.s32 $0x1  }
0xc0: {  	_ =	sfence.sel $0xFFFF  }
0xc1: {  	[dreg:$0x0] =	wrdreg $0xFFFFFFFF;
	(pc) =	sbr.abs _section_cstart, $3  }
0xc2: {  	[dreg:$0x1] =	wrdreg $0xFFFFFFFF  }
0xc3: {  	_ =	task.clear_ibuf [dreg:s8], $0x2FFFF;
	_ =	strace $0x9FFFFFFF  }
0xc4: {  	(tm) =	ssettm $0x7FFFFFFF  }
0xc5: {  	_ =	shalt  }
tec
execute0_lowered:
.L_overlay_start_1:
0x0: {  	(tag) =	ssettag $0x1  }
0x1: {  	s6 =	rddreg [dreg:$0x0]  }
0x2: {  	s1 =	srdreg.scid;
	s2 =	rddreg [dreg:$0x1]  }
0x3: {  	s0 =	stileid.u32;
	s3 =	rddreg [dreg:$0x2]  }
0x4: {  	s4 =	simm.s32 $0x0;
	s13 =	simm.s32 $0x5;
	s14 =	simm.s32 $0x400  }
0x5: {  	s15 =	simm.s32 $0x600;
	s16 =	simm.s32 $0x1;
	s17 =	simm.s32 $0x800  }
0x6: {  	s18 =	simm.s32 $0x2;
	s7 =	sand.u32 $0x1, s1;
	s31 =	sshll.u32 s0, $0x1  }
0x7: {  	s19 =	simm.s32 $0x4;
	s20 =	simm.s32 $0xD000;
	s5 =	sor.u32 s7, s31  }
0x8: {  	s21 =	simm.s32 $0x3;
	s22 =	simm.s32 $0x0;
	s5 =	smul.u32 $0x19000, s5  }
.Ltmp0:
0x9: {  	s1 =	rddreg [dreg:$0x3];
	s7 =	ssub.s32 $0x2, s7;
	(pc) =	sbr.rel .LBB2_1-.Ltmp0, $4  }
0xa: {  	v0 =	vlaneseq.u32;
	[smem:$0x7FF] =	sst s4;
	s6 =	sadd.s32 $0x400, s6;
	s8 =	sshrl.u32 s7, $0x1  }
0xb: {  	v1 =	vor.u32 $0x10, v0;
	_ =	strace $0x80000047;
	s12 =	ssub.s32 s7, s8;
	s9 =	sshrl.u32 s5, $0x3  }
0xc: {  	v2 =	vor.u32 $0x20, v0;
	v3 =	vor.u32 $0x30, v0;
	v4 =	vor.u32 $0x40, v0;
	s10 =	sor.u32 $0x190, s5;
	s11 =	sor.u32 $0x4B0, s5;
	s7 =	sadd.s32 s6, s9  }
0xd: {  	v5 =	vor.u32 $0x50, v0;
	v6 =	vor.u32 $0x60, v0;
	v7 =	vor.u32 $0x70, v0;
	s12 =	smax.u32 s12, $0x1;
	s9 =	sor.u32 $0x320, s5;
	s8 =	sadd.s32 $0x32, s7  }
.LBB2_12:
0xe: {  	s22 =	sadd.s32 $0x1, s22  }
0xf: {  	_ =	swait.ge [sflag:s21], $0xC800;
	p0 =	sne.s32 s22, s12  }
.Ltmp1:
0x10: {  	[sflag:s21] =	ssyncset.done $0x0;
	(pc) =	sbr.rel @!p0 .LBB2_13-.Ltmp1, $4  }
0x11: {  	[sflag:s21] =	ssyncadd.s32 $0xFFFF3800  }
0x12: {  	_ =	swait.ge [sflag:s19], $0xC800  }
0x13: {  	[sflag:s19] =	ssyncset.done $0x0  }
0x14: {  	[sflag:s19] =	ssyncadd.s32 $0xFFFF3800  }
.LBB2_1:
0x15: {  	[tilespmem:s4], [sflag:$0x5] =	stream.linear.gather [hbm4b:s2+s4], $0x380, $0x38;
	[tilespmem:$0x19800] =	vst v63  }
0x16: {  	_ =	swait.ge [sflag:s13], $0x380  }
0x17: {  	[sflag:s13] =	ssyncset.done $0x0  }
0x18: {  	[sflag:s13] =	ssyncadd.s32 $0xFFFFFC80  }
0x19: {  	[tilespmem:s14], [sflag:$0x1] =	stream.linear.gather [hbm4b:s7+s4], $0x190, $0x38;
	[tilespmem:$0x19800] =	vst v63  }
0x1a: {  	s23 =	simm.s32 $0x0  }
0x1b: {  	[tilespmem:s15], [sflag:$0x2] =	stream.linear.gather [hbm4b:s8+s4], $0x190, $0x38;
	[tilespmem:$0x19800] =	vst v63  }
.LBB2_2:
0x1c: {  	s24 =	simm.s32 $0x2  }
0x1d: {  	s25 =	simm.s32 $0x1;
	v8 =	vmov s24  }
0x1e: {  	s26 =	simm.s32 $0x0;
	v9 =	vmov s25;
	v8 =	vand.u32 $0xFFFFFFFE, v8  }
0x1f: {  	_ =	swait.ge [sflag:s16], $0x190;
	v10 =	vmov s26;
	v9 =	vand.u32 $0xFFFFFFFD, v9;
	v8 =	vbroadcast v8, $0x0  }
0x20: {  	p0 =	seq.s32 s23, $0x0;
	[sflag:s16] =	ssyncset.done $0x0;
	v10 =	vand.u32 $0xFFFFFFFC, v10;
	v9 =	vbroadcast v9, $0x0  }
0x21: {  	s24 =	simm.s32 @!p0 $0x3;
	[sflag:s16] =	ssyncadd.s32 $0xFFFFFE70;
	v10 =	vbroadcast v10, $0x0  }
0x22: {  	s29 =	simm.s32 $0x3;
	_ =	swait.ge @!p0 [sflag:s24], $0xC800  }
0x23: {  	v11 =	vmov s29;
	[sflag:s24] =	ssyncset.done @!p0 $0x0  }
0x24: {  	[sflag:s24] =	ssyncadd.s32 @!p0 $0xFFFF3800  }
0x25: {  	v8 =	vld.idx.msk [tilespmem:v8+s14+$0x0], $0xffff  }
0x26: {  	v9 =	vld.idx.msk [tilespmem:v9+s14+$0x0], $0xffff  }
0x27: {  	v10 =	vld.idx.msk [tilespmem:v10+s14+$0x0], $0xffff  }
0x28: {  	v11 =	vld.idx.msk [tilespmem:v11+s14+$0x0], $0xffff;
	_ =	sdelay $0x1  }
0x29: {  	v18 =	vshll.u32 v8, $0x7  }
0x2a: {  	v16 =	vshll.u32 v9, $0x7;
	v8 =	vor.u32 v0, v18  }
0x2b: {  	v12 =	vshll.u32 v10, $0x7;
	v9 =	vor.u32 v0, v16  }
0x2c: {  	v13 =	vshll.u32 v11, $0x7;
	v10 =	vor.u32 v0, v12  }
0x2d: {  	v11 =	vor.u32 v0, v13;
	_ =	sdelay $0x1  }
0x2e: {  	v8 =	vld.idx.msk [tilespmem:v8+s4+$0x0], $0xffff  }
0x2f: {  	v14 =	vor.u32 v1, v18;
	v9 =	vld.idx.msk [tilespmem:v9+s4+$0x0], $0xffff  }
0x30: {  	v15 =	vor.u32 v1, v16;
	v10 =	vld.idx.msk [tilespmem:v10+s4+$0x0], $0xffff  }
0x31: {  	v17 =	vor.u32 v1, v12;
	v11 =	vld.idx.msk [tilespmem:v11+s4+$0x0], $0xffff  }
0x32: {  	s25 =	simm.s32 $0x900;
	v19 =	vor.u32 v1, v13  }
0x33: {  	[tilespmem:s25+$0x0] =	vst v8  }
0x34: {  	[tilespmem:s25+$0xFFFFFF80] =	vst v9;
	v9 =	vld.idx.msk [tilespmem:v14+s4+$0x0], $0xffff  }
0x35: {  	s26 =	simm.s32 $0x4;
	[tilespmem:s25+$0xFFFFFF00] =	vst v10;
	v10 =	vld.idx.msk [tilespmem:v15+s4+$0x0], $0xffff;
	v15 =	vor.u32 v2, v18  }
0x36: {  	s31 =	simm.s32 $0x5;
	v20 =	vor.u32 v2, v16;
	[tilespmem:s25+$0x80] =	vst v11;
	v14 =	vmov s26;
	v17 =	vld.idx.msk [tilespmem:v17+s4+$0x0], $0xffff  }
0x37: {  	v21 =	vmov s31;
	v11 =	vor.u32 v2, v12;
	v19 =	vld.idx.msk [tilespmem:v19+s4+$0x0], $0xffff;
	v14 =	vand.u32 $0xFFFFFFFC, v14  }
0x38: {  	v21 =	vand.u32 $0xFFFFFFFD, v21;
	v22 =	vor.u32 v2, v13;
	v14 =	vbroadcast v14, $0x0  }
0x39: {  	[tilespmem:s25+$0x10] =	vst v9;
	v9 =	vbroadcast v21, $0x0  }
0x3a: {  	s26 =	simm.s32 $0x6;
	[tilespmem:s25+$0xFFFFFF90] =	vst v10;
	v10 =	vld.idx.msk [tilespmem:v15+s4+$0x0], $0xffff  }
0x3b: {  	[tilespmem:s25+$0xFFFFFF10] =	vst v17;
	v17 =	vmov s26;
	v15 =	vld.idx.msk [tilespmem:v20+s4+$0x0], $0xffff;
	v20 =	vor.u32 v3, v18  }
0x3c: {  	[tilespmem:s25+$0x90] =	vst v19;
	v21 =	vor.u32 v3, v16;
	v11 =	vld.idx.msk [tilespmem:v11+s4+$0x0], $0xffff;
	v17 =	vand.u32 $0xFFFFFFFE, v17  }
0x3d: {  	v19 =	vor.u32 v3, v12;
	v22 =	vld.idx.msk [tilespmem:v22+s4+$0x0], $0xffff;
	v17 =	vbroadcast v17, $0x0  }
0x3e: {  	v14 =	vld.idx.msk [tilespmem:v14+s14+$0x0], $0xffff  }
0x3f: {  	s30 =	simm.s32 $0x7;
	v9 =	vld.idx.msk [tilespmem:v9+s14+$0x0], $0xffff;
	[tilespmem:s25+$0x20] =	vst v10;
	v10 =	vor.u32 v3, v13  }
0x40: {  	v8 =	vmov s30;
	[tilespmem:s25+$0xFFFFFFA0] =	vst v15;
	v15 =	vld.idx.msk [tilespmem:v20+s4+$0x0], $0xffff  }
0x41: {  	[tilespmem:s25+$0xFFFFFF20] =	vst v11;
	v11 =	vld.idx.msk [tilespmem:v21+s4+$0x0], $0xffff  }
0x42: {  	v20 =	vor.u32 v4, v18;
	v19 =	vld.idx.msk [tilespmem:v19+s4+$0x0], $0xffff  }
0x43: {  	[tilespmem:s25+$0xA0] =	vst v22;
	v21 =	vor.u32 v4, v16;
	v17 =	vld.idx.msk [tilespmem:v17+s14+$0x0], $0xffff  }
0x44: {  	v22 =	vor.u32 v4, v12;
	v23 =	vld.idx.msk [tilespmem:v10+s4+$0x0], $0xffff  }
0x45: {  	v8 =	vld.idx.msk [tilespmem:v8+s14+$0x0], $0xffff;
	v10 =	vshll.u32 v14, $0x7;
	v14 =	vor.u32 v4, v13  }
0x46: {  	v9 =	vshll.u32 v9, $0x7;
	[tilespmem:s25+$0x30] =	vst v15;
	v15 =	vor.u32 v0, v10  }
0x47: {  	[tilespmem:s25+$0xFFFFFFB0] =	vst v11;
	v25 =	vor.u32 v0, v9;
	v20 =	vld.idx.msk [tilespmem:v20+s4+$0x0], $0xffff  }
0x48: {  	[tilespmem:s25+$0xFFFFFF30] =	vst v19;
	v19 =	vld.idx.msk [tilespmem:v21+s4+$0x0], $0xffff;
	v11 =	vshll.u32 v17, $0x7;
	v21 =	vor.u32 v5, v18  }
0x49: {  	s29 =	simm.s32 $0x8;
	v17 =	vld.idx.msk [tilespmem:v22+s4+$0x0], $0xffff;
	v22 =	vor.u32 v0, v11;
	[tilespmem:s25+$0xB0] =	vst v23  }
0x4a: {  	v26 =	vmov s29;
	v8 =	vshll.u32 v8, $0x7;
	v23 =	vor.u32 v5, v16;
	v14 =	vld.idx.msk [tilespmem:v14+s4+$0x0], $0xffff  }
0x4b: {  	v26 =	vand.u32 $0xFFFFFFFC, v26;
	v24 =	vor.u32 v0, v8;
	v27 =	vld.idx.msk [tilespmem:v15+s4+$0x0], $0xffff  }
0x4c: {  	v26 =	vbroadcast v26, $0x0;
	v15 =	vor.u32 v5, v12;
	v25 =	vld.idx.msk [tilespmem:v25+s4+$0x0], $0xffff;
	[tilespmem:s25+$0x40] =	vst v20  }
0x4d: {  	v21 =	vld.idx.msk [tilespmem:v21+s4+$0x0], $0xffff  }
0x4e: {  	v20 =	vor.u32 v5, v13;
	[tilespmem:s25+$0xFFFFFFC0] =	vst v19;
	v19 =	vld.idx.msk [tilespmem:v22+s4+$0x0], $0xffff  }
0x4f: {  	s30 =	simm.s32 $0xB;
	v22 =	vld.idx.msk [tilespmem:v23+s4+$0x0], $0xffff;
	v23 =	vor.u32 v6, v18  }
0x50: {  	v28 =	vmov s30;
	v24 =	vld.idx.msk [tilespmem:v24+s4+$0x0], $0xffff;
	[tilespmem:s25+$0xFFFFFF40] =	vst v17  }
0x51: {  	v31 =	vor.u32 v1, v9;
	v30 =	vld.idx.msk [tilespmem:v15+s4+$0x0], $0xffff  }
0x52: {  	v29 =	vor.u32 v1, v11;
	[tilespmem:s25+$0xC0] =	vst v14;
	v14 =	vld.idx.msk [tilespmem:v26+s14+$0x0], $0xffff  }
0x53: {  	s24 =	simm.s32 $0xB00;
	v17 =	vld.idx.msk [tilespmem:v20+s4+$0x0], $0xffff;
	v20 =	vor.u32 v1, v10;
	[tilespmem:s25+$0x50] =	vst v21  }
0x54: {  	v26 =	vor.u32 v1, v8;
	[tilespmem:s24+$0xFFFFFF80] =	vst v25;
	v21 =	vld.idx.msk [tilespmem:v23+s4+$0x0], $0xffff  }
0x55: {  	v15 =	vld.idx.msk [tilespmem:v28+s14+$0x0], $0xffff;
	[tilespmem:s24+$0xFFFFFF00] =	vst v27;
	v27 =	vor.u32 v7, v18  }
0x56: {  	v25 =	vor.u32 v6, v12;
	v28 =	vld.idx.msk [tilespmem:v31+s4+$0x0], $0xffff;
	[tilespmem:s24+$0x0] =	vst v19  }
0x57: {  	[tilespmem:s24+$0x80] =	vst v24;
	v19 =	vor.u32 v6, v16;
	v23 =	vld.idx.msk [tilespmem:v29+s4+$0x0], $0xffff  }
0x58: {  	v32 =	vor.u32 v2, v9;
	[tilespmem:s25+$0xFFFFFFD0] =	vst v22;
	v29 =	vld.idx.msk [tilespmem:v20+s4+$0x0], $0xffff  }
0x59: {  	v63 =	vor.u32 v2, v11;
	v20 =	vld.idx.msk [tilespmem:v26+s4+$0x0], $0xffff;
	[tilespmem:s25+$0x60] =	vst v21  }
0x5a: {  	s31 =	simm.s32 $0x9;
	[tilespmem:s25+$0xFFFFFF50] =	vst v30;
	v21 =	vld.idx.msk [tilespmem:v27+s4+$0x0], $0xffff;
	v27 =	vor.u32 v2, v10  }
0x5b: {  	v24 =	vor.u32 v2, v8;
	v22 =	vmov s31;
	v18 =	vld.idx.msk [tilespmem:v25+s4+$0x0], $0xffff;
	[tilespmem:s24+$0xFFFFFF90] =	vst v28  }
0x5c: {  	v25 =	vor.u32 v6, v13;
	v19 =	vld.idx.msk [tilespmem:v19+s4+$0x0], $0xffff;
	[tilespmem:s24+$0x10] =	vst v23;
	v23 =	vand.u32 $0xFFFFFFFD, v22  }
0x5d: {  	v16 =	vor.u32 v7, v16;
	v26 =	vld.idx.msk [tilespmem:v32+s4+$0x0], $0xffff;
	v23 =	vbroadcast v23, $0x0  }
0x5e: {  	s28 =	simm.s32 $0xA;
	s26 =	simm.s32 $0xC;
	v22 =	vld.idx.msk [tilespmem:v63+s4+$0x0], $0xffff;
	[tilespmem:s24+$0xFFFFFF10] =	vst v29  }
.LBB2_3:
0x5f: {  	p1 =	slt.u32 s26, $0x18C;
	v28 =	vmov s28;
	v27 =	vld.idx.msk [tilespmem:v27+s4+$0x0], $0xffff;
	v29 =	vor.u32 v3, v11;
	[tilespmem:s24+$0x90] =	vst v20  }
0x60: {  	v20 =	vand.u32 $0xFFFFFFFE, v28;
	v28 =	vor.u32 v3, v9;
	v24 =	vld.idx.msk [tilespmem:v24+s4+$0x0], $0xffff;
	[tilespmem:s25+$0xD0] =	vst v17  }
0x61: {  	v17 =	vbroadcast v20, $0x0;
	v20 =	vor.u32 v3, v10;
	[tilespmem:s25+$0xFFFFFFE0] =	vst v19;
	v19 =	vld.idx.msk [tilespmem:v25+s4+$0x0], $0xffff  }
0x62: {  	v16 =	vld.idx.msk [tilespmem:v16+s4+$0x0], $0xffff;
	[tilespmem:s25+$0x70] =	vst v21  }
0x63: {  	v21 =	vld.idx.msk [tilespmem:v23+s14+$0x0], $0xffff;
	[tilespmem:s24+$0x20] =	vst v22;
	v22 =	vor.u32 v3, v8  }
0x64: {  	v25 =	vor.u32 v7, v12;
	v12 =	vmov v10;
	[tilespmem:s24+$0xFFFFFFA0] =	vst v26;
	v23 =	vld.idx.msk [tilespmem:v29+s4+$0x0], $0xffff  }
0x65: {  	[tilespmem:s24+$0xFFFFFF20] =	vst v27;
	v26 =	vld.idx.msk [tilespmem:v28+s4+$0x0], $0xffff;
	v27 =	vor.u32 v7, v13;
	v13 =	vmov v8  }
0x66: {  	v28 =	vor.u32 v4, v11;
	v20 =	vld.idx.msk [tilespmem:v20+s4+$0x0], $0xffff;
	[tilespmem:s24+$0xA0] =	vst v24  }
0x67: {  	v24 =	vor.u32 v4, v9;
	v17 =	vld.idx.msk [tilespmem:v17+s14+$0x0], $0xffff;
	[tilespmem:s25+$0xFFFFFF60] =	vst v18  }
0x68: {  	v8 =	vshll.u32 v15, $0x7;
	v15 =	vor.u32 v4, v12;
	v18 =	vld.idx.msk [tilespmem:v22+s4+$0x0], $0xffff;
	[tilespmem:s25+$0xE0] =	vst v19  }
0x69: {  	v19 =	vor.u32 v0, v8;
	v22 =	vld.idx.msk [tilespmem:v25+s4+$0x0], $0xffff;
	[tilespmem:s25+$0xFFFFFFF0] =	vst v16  }
0x6a: {  	v10 =	vshll.u32 v14, $0x7;
	v14 =	vor.u32 v4, v13;
	[tilespmem:s24+$0x30] =	vst v23;
	v16 =	vld.idx.msk [tilespmem:v27+s4+$0x0], $0xffff  }
0x6b: {  	v29 =	vshll.u32 v21, $0x7;
	v23 =	vor.u32 v0, v10;
	[tilespmem:s24+$0xFFFFFFB0] =	vst v26;
	v21 =	vld.idx.msk [tilespmem:v28+s4+$0x0], $0xffff  }
0x6c: {  	v25 =	vor.u32 v0, v29;
	[tilespmem:s24+$0xFFFFFF30] =	vst v20;
	v20 =	vld.idx.msk [tilespmem:v24+s4+$0x0], $0xffff  }
0x6d: {  	v24 =	vshll.u32 v17, $0x7;
	v17 =	vor.u32 v5, v11;
	v15 =	vld.idx.msk [tilespmem:v15+s4+$0x0], $0xffff  }
0x6e: {  	v26 =	vor.u32 v0, v24;
	v19 =	vld.idx.msk [tilespmem:v19+s4+$0x0], $0xffff;
	[tilespmem:s24+$0xB0] =	vst v18  }
0x6f: {  	v18 =	vor.u32 v5, v9;
	v14 =	vld.idx.msk [tilespmem:v14+s4+$0x0], $0xffff;
	[tilespmem:s25+$0xFFFFFF70] =	vst v22  }
0x70: {  	v27 =	vor.u32 v5, v12;
	v22 =	vmov s26;
	v23 =	vld.idx.msk [tilespmem:v23+s4+$0x0], $0xffff;
	[tilespmem:s25+$0xF0] =	vst v16;
	s25 =	smov.u32 s24  }
0x71: {  	s28 =	sadd.s32 $0x3, s26;
	v16 =	vand.u32 $0xFFFFFFFC, v22;
	v22 =	vld.idx.msk [tilespmem:v25+s4+$0x0], $0xffff;
	[tilespmem:s24+$0x40] =	vst v21;
	v21 =	vor.u32 v5, v13  }
0x72: {  	v16 =	vbroadcast v16, $0x0;
	v25 =	vmov s28;
	[tilespmem:s24+$0xFFFFFFC0] =	vst v20;
	v20 =	vld.idx.msk [tilespmem:v17+s4+$0x0], $0xffff  }
0x73: {  	v26 =	vld.idx.msk [tilespmem:v26+s4+$0x0], $0xffff;
	[tilespmem:s24+$0xFFFFFF40] =	vst v15  }
0x74: {  	v28 =	vor.u32 v6, v11;
	v18 =	vld.idx.msk [tilespmem:v18+s4+$0x0], $0xffff  }
0x75: {  	v30 =	vor.u32 v1, v24;
	v31 =	vld.idx.msk [tilespmem:v27+s4+$0x0], $0xffff;
	[tilespmem:s24+$0xC0] =	vst v14  }
0x76: {  	v27 =	vor.u32 v1, v29;
	v17 =	vld.idx.msk [tilespmem:v21+s4+$0x0], $0xffff  }
0x77: {  	v21 =	vor.u32 v1, v10;
	v15 =	vld.idx.msk [tilespmem:v25+s14+$0x0], $0xffff  }
0x78: {  	s24 =	sadd.s32 $0x200, s24;
	v14 =	vld.idx.msk [tilespmem:v16+s14+$0x0], $0xffff;
	v16 =	vor.u32 v1, v8;
	[tilespmem:s25+$0x50] =	vst v20  }
0x79: {  	v25 =	vor.u32 v6, v9;
	[tilespmem:s24+$0x0] =	vst v26;
	v26 =	vld.idx.msk [tilespmem:v28+s4+$0x0], $0xffff  }
0x7a: {  	v28 =	vor.u32 v6, v12;
	[tilespmem:s24+$0xFFFFFF80] =	vst v22;
	v22 =	vld.idx.msk [tilespmem:v30+s4+$0x0], $0xffff  }
0x7b: {  	[tilespmem:s24+$0xFFFFFF00] =	vst v23;
	v30 =	vld.idx.msk [tilespmem:v27+s4+$0x0], $0xffff;
	v23 =	vor.u32 v7, v11;
	v11 =	vmov v24  }
0x7c: {  	v32 =	vld.idx.msk [tilespmem:v21+s4+$0x0], $0xffff;
	v33 =	vor.u32 v2, v11;
	[tilespmem:s24+$0x80] =	vst v19  }
0x7d: {  	v34 =	vor.u32 v2, v29;
	v20 =	vld.idx.msk [tilespmem:v16+s4+$0x0], $0xffff;
	[tilespmem:s25+$0xFFFFFFD0] =	vst v18  }
.Ltmp2:
0x7e: {  	s28 =	sadd.s32 $0x1, s26;
	v27 =	vor.u32 v2, v10;
	[tilespmem:s25+$0xFFFFFF50] =	vst v31;
	v19 =	vld.idx.msk [tilespmem:v25+s4+$0x0], $0xffff;
	(pc) =	sbr.rel @p1 .LBB2_3-.Ltmp2, $4  }
0x7f: {  	v24 =	vor.u32 v2, v8;
	v16 =	vmov s28;
	v18 =	vld.idx.msk [tilespmem:v28+s4+$0x0], $0xffff;
	[tilespmem:s25+$0x60] =	vst v26  }
0x80: {  	v16 =	vand.u32 $0xFFFFFFFD, v16;
	v25 =	vor.u32 v6, v13;
	[tilespmem:s24+$0x10] =	vst v22;
	v21 =	vld.idx.msk [tilespmem:v23+s4+$0x0], $0xffff  }
0x81: {  	v23 =	vbroadcast v16, $0x0;
	v16 =	vor.u32 v7, v9;
	v9 =	vmov v29;
	[tilespmem:s24+$0xFFFFFF90] =	vst v30;
	v22 =	vld.idx.msk [tilespmem:v33+s4+$0x0], $0xffff  }
0x82: {  	s28 =	sadd.s32 $0x2, s26;
	s26 =	sadd.s32 $0x4, s26;
	[tilespmem:s24+$0xFFFFFF10] =	vst v32;
	v26 =	vld.idx.msk [tilespmem:v34+s4+$0x0], $0xffff  }
0x83: {  	_ =	sdelay $0x1  }
0x84: {  	v28 =	vmov s28  }
0x85: {  	v28 =	vand.u32 $0xFFFFFFFE, v28  }
0x86: {  	v27 =	vld.idx.msk [tilespmem:v27+s4+$0x0], $0xffff;
	[tilespmem:s24+$0x90] =	vst v20;
	v53 =	vor.u32 v3, v11;
	v28 =	vbroadcast v28, $0x0  }
0x87: {  	[tilespmem:s25+$0xD0] =	vst v17;
	v23 =	vld.idx.msk [tilespmem:v23+s14+$0x0], $0xffff  }
0x88: {  	v54 =	vor.u32 v3, v9;
	[tilespmem:s25+$0xFFFFFFE0] =	vst v19;
	v24 =	vld.idx.msk [tilespmem:v24+s4+$0x0], $0xffff  }
0x89: {  	v12 =	vor.u32 v7, v12;
	v55 =	vld.idx.msk [tilespmem:v25+s4+$0x0], $0xffff;
	[tilespmem:s25+$0xFFFFFF60] =	vst v18  }
0x8a: {  	v56 =	vor.u32 v3, v10;
	v59 =	vld.idx.msk [tilespmem:v16+s4+$0x0], $0xffff;
	[tilespmem:s24+$0x20] =	vst v22  }
0x8b: {  	v58 =	vor.u32 v3, v8;
	[tilespmem:s25+$0x70] =	vst v21;
	v20 =	vld.idx.msk [tilespmem:v53+s4+$0x0], $0xffff  }
0x8c: {  	v60 =	vor.u32 v7, v13;
	v13 =	vshll.u32 v14, $0x7;
	[tilespmem:s24+$0xFFFFFFA0] =	vst v26;
	v57 =	vld.idx.msk [tilespmem:v28+s14+$0x0], $0xffff  }
0x8d: {  	v35 =	vor.u32 v0, v13;
	[tilespmem:s24+$0xFFFFFF20] =	vst v27;
	v61 =	vld.idx.msk [tilespmem:v54+s4+$0x0], $0xffff  }
0x8e: {  	v29 =	vor.u32 v4, v11;
	v32 =	vld.idx.msk [tilespmem:v12+s4+$0x0], $0xffff;
	[tilespmem:s24+$0xA0] =	vst v24  }
0x8f: {  	v63 =	vor.u32 v4, v9;
	v16 =	vshll.u32 v23, $0x7;
	v62 =	vld.idx.msk [tilespmem:v56+s4+$0x0], $0xffff;
	[tilespmem:s25+$0xE0] =	vst v55  }
0x90: {  	v12 =	vshll.u32 v15, $0x7;
	[tilespmem:s25+$0xFFFFFFF0] =	vst v59;
	v33 =	vor.u32 v0, v16;
	v30 =	vld.idx.msk [tilespmem:v58+s4+$0x0], $0xffff  }
0x91: {  	v36 =	vor.u32 v0, v12;
	v34 =	vld.idx.msk [tilespmem:v60+s4+$0x0], $0xffff;
	[tilespmem:s24+$0x30] =	vst v20;
	v17 =	vshll.u32 v57, $0x7  }
0x92: {  	[tilespmem:s24+$0xFFFFFFB0] =	vst v61;
	v20 =	vld.idx.msk [tilespmem:v35+s4+$0x0], $0xffff;
	v31 =	vor.u32 v0, v17  }
0x93: {  	v38 =	vor.u32 v4, v10;
	[tilespmem:s25+$0xFFFFFF70] =	vst v32;
	v37 =	vld.idx.msk [tilespmem:v29+s4+$0x0], $0xffff  }
0x94: {  	v40 =	vor.u32 v4, v8;
	[tilespmem:s24+$0xFFFFFF30] =	vst v62;
	v39 =	vld.idx.msk [tilespmem:v63+s4+$0x0], $0xffff  }
0x95: {  	v45 =	vor.u32 v1, v13;
	v14 =	vld.idx.msk [tilespmem:v33+s4+$0x0], $0xffff;
	[tilespmem:s24+$0xB0] =	vst v30  }
0x96: {  	s30 =	sadd.s32 $0x200, s24;
	v43 =	vor.u32 v1, v16;
	v44 =	vld.idx.msk [tilespmem:v36+s4+$0x0], $0xffff;
	[tilespmem:s25+$0xF0] =	vst v34  }
0x97: {  	v47 =	vor.u32 v1, v12;
	[tilespmem:s30+$0xFFFFFF00] =	vst v20;
	v41 =	vld.idx.msk [tilespmem:v31+s4+$0x0], $0xffff  }
0x98: {  	v46 =	vld.idx.msk [tilespmem:v38+s4+$0x0], $0xffff;
	v42 =	vor.u32 v1, v17;
	[tilespmem:s24+$0x40] =	vst v37  }
0x99: {  	v48 =	vor.u32 v5, v11;
	v25 =	vld.idx.msk [tilespmem:v40+s4+$0x0], $0xffff;
	[tilespmem:s24+$0xFFFFFFC0] =	vst v39  }
0x9a: {  	v49 =	vor.u32 v5, v9;
	[tilespmem:s30+$0xFFFFFF80] =	vst v14;
	v20 =	vld.idx.msk [tilespmem:v45+s4+$0x0], $0xffff  }
0x9b: {  	v54 =	vor.u32 v2, v13;
	[tilespmem:s30+$0x80] =	vst v44;
	v15 =	vld.idx.msk [tilespmem:v43+s4+$0x0], $0xffff  }
0x9c: {  	v52 =	vor.u32 v2, v16;
	v53 =	vld.idx.msk [tilespmem:v47+s4+$0x0], $0xffff;
	[tilespmem:s30+$0x0] =	vst v41  }
0x9d: {  	v56 =	vor.u32 v2, v12;
	[tilespmem:s24+$0xFFFFFF40] =	vst v46;
	v50 =	vld.idx.msk [tilespmem:v42+s4+$0x0], $0xffff  }
0x9e: {  	v51 =	vor.u32 v2, v17;
	v55 =	vld.idx.msk [tilespmem:v48+s4+$0x0], $0xffff;
	[tilespmem:s24+$0xC0] =	vst v25  }
0x9f: {  	v57 =	vor.u32 v5, v10;
	v18 =	vld.idx.msk [tilespmem:v49+s4+$0x0], $0xffff;
	[tilespmem:s30+$0xFFFFFF10] =	vst v20  }
0xa0: {  	v58 =	vor.u32 v6, v11;
	[tilespmem:s30+$0xFFFFFF90] =	vst v15;
	v62 =	vld.idx.msk [tilespmem:v54+s4+$0x0], $0xffff  }
0xa1: {  	v29 =	vor.u32 v3, v13;
	[tilespmem:s30+$0x90] =	vst v53;
	v60 =	vld.idx.msk [tilespmem:v52+s4+$0x0], $0xffff  }
0xa2: {  	v63 =	vor.u32 v3, v16;
	v28 =	vld.idx.msk [tilespmem:v56+s4+$0x0], $0xffff;
	[tilespmem:s30+$0x10] =	vst v50  }
0xa3: {  	v31 =	vor.u32 v3, v12;
	[tilespmem:s24+$0x50] =	vst v55;
	v59 =	vld.idx.msk [tilespmem:v51+s4+$0x0], $0xffff  }
0xa4: {  	v61 =	vor.u32 v3, v17;
	v30 =	vld.idx.msk [tilespmem:v57+s4+$0x0], $0xffff;
	[tilespmem:s24+$0xFFFFFFD0] =	vst v18  }
0xa5: {  	v32 =	vor.u32 v5, v8;
	v14 =	vld.idx.msk [tilespmem:v58+s4+$0x0], $0xffff;
	[tilespmem:s30+$0xFFFFFF20] =	vst v62  }
0xa6: {  	v33 =	vor.u32 v6, v9;
	[tilespmem:s30+$0xFFFFFFA0] =	vst v60;
	v37 =	vld.idx.msk [tilespmem:v29+s4+$0x0], $0xffff  }
0xa7: {  	v39 =	vor.u32 v4, v13;
	[tilespmem:s30+$0xA0] =	vst v28;
	v35 =	vld.idx.msk [tilespmem:v63+s4+$0x0], $0xffff  }
0xa8: {  	v38 =	vor.u32 v4, v16;
	v18 =	vld.idx.msk [tilespmem:v31+s4+$0x0], $0xffff;
	[tilespmem:s30+$0x20] =	vst v59  }
0xa9: {  	[tilespmem:s24+$0xFFFFFF50] =	vst v30;
	v41 =	vor.u32 v4, v12;
	v34 =	vld.idx.msk [tilespmem:v61+s4+$0x0], $0xffff  }
0xaa: {  	v36 =	vor.u32 v4, v17;
	v40 =	vld.idx.msk [tilespmem:v32+s4+$0x0], $0xffff;
	[tilespmem:s24+$0x60] =	vst v14  }
0xab: {  	v43 =	vor.u32 v6, v10;
	v15 =	vld.idx.msk [tilespmem:v33+s4+$0x0], $0xffff;
	[tilespmem:s30+$0xFFFFFF30] =	vst v37  }
0xac: {  	v42 =	vor.u32 v7, v11;
	[tilespmem:s30+$0xFFFFFFB0] =	vst v35;
	v47 =	vld.idx.msk [tilespmem:v39+s4+$0x0], $0xffff  }
0xad: {  	v49 =	vor.u32 v5, v13;
	[tilespmem:s30+$0xB0] =	vst v18;
	v45 =	vld.idx.msk [tilespmem:v38+s4+$0x0], $0xffff  }
0xae: {  	v48 =	vor.u32 v5, v16;
	v14 =	vld.idx.msk [tilespmem:v41+s4+$0x0], $0xffff;
	[tilespmem:s30+$0x30] =	vst v34  }
0xaf: {  	[tilespmem:s24+$0xD0] =	vst v40;
	v50 =	vor.u32 v5, v12;
	v44 =	vld.idx.msk [tilespmem:v36+s4+$0x0], $0xffff  }
0xb0: {  	v46 =	vor.u32 v5, v17;
	v19 =	vld.idx.msk [tilespmem:v43+s4+$0x0], $0xffff;
	[tilespmem:s24+$0xFFFFFFE0] =	vst v15  }
0xb1: {  	v52 =	vor.u32 v7, v9;
	v11 =	vld.idx.msk [tilespmem:v42+s4+$0x0], $0xffff;
	[tilespmem:s30+$0xFFFFFF40] =	vst v47  }
0xb2: {  	v51 =	vor.u32 v6, v8;
	[tilespmem:s30+$0xFFFFFFC0] =	vst v45;
	v54 =	vld.idx.msk [tilespmem:v49+s4+$0x0], $0xffff  }
0xb3: {  	v57 =	vor.u32 v6, v13;
	[tilespmem:s30+$0xC0] =	vst v14;
	v18 =	vld.idx.msk [tilespmem:v48+s4+$0x0], $0xffff  }
0xb4: {  	v55 =	vor.u32 v6, v16;
	v56 =	vld.idx.msk [tilespmem:v50+s4+$0x0], $0xffff;
	[tilespmem:s30+$0x40] =	vst v44  }
0xb5: {  	[tilespmem:s24+$0xFFFFFF60] =	vst v19;
	v59 =	vor.u32 v6, v12;
	v20 =	vld.idx.msk [tilespmem:v46+s4+$0x0], $0xffff  }
0xb6: {  	v53 =	vor.u32 v6, v17;
	v9 =	vld.idx.msk [tilespmem:v52+s4+$0x0], $0xffff;
	[tilespmem:s24+$0x70] =	vst v11  }
0xb7: {  	v60 =	vor.u32 v7, v10;
	v58 =	vld.idx.msk [tilespmem:v51+s4+$0x0], $0xffff;
	[tilespmem:s30+$0xFFFFFF50] =	vst v54  }
0xb8: {  	v8 =	vor.u32 v7, v8;
	[tilespmem:s30+$0xFFFFFFD0] =	vst v18;
	v15 =	vld.idx.msk [tilespmem:v57+s4+$0x0], $0xffff  }
0xb9: {  	v13 =	vor.u32 v7, v13;
	[tilespmem:s30+$0xD0] =	vst v56;
	v14 =	vld.idx.msk [tilespmem:v55+s4+$0x0], $0xffff  }
0xba: {  	v16 =	vor.u32 v7, v16;
	v11 =	vld.idx.msk [tilespmem:v59+s4+$0x0], $0xffff;
	[tilespmem:s30+$0x50] =	vst v20  }
0xbb: {  	[tilespmem:s24+$0xFFFFFFF0] =	vst v9;
	v61 =	vor.u32 v7, v12;
	v20 =	vld.idx.msk [tilespmem:v53+s4+$0x0], $0xffff  }
0xbc: {  	v17 =	vor.u32 v7, v17;
	v10 =	vld.idx.msk [tilespmem:v60+s4+$0x0], $0xffff;
	[tilespmem:s24+$0xE0] =	vst v58  }
0xbd: {  	v8 =	vld.idx.msk [tilespmem:v8+s4+$0x0], $0xffff;
	[tilespmem:s30+$0xFFFFFF60] =	vst v15  }
0xbe: {  	[tilespmem:s30+$0xFFFFFFE0] =	vst v14;
	v63 =	vld.idx.msk [tilespmem:v13+s4+$0x0], $0xffff  }
0xbf: {  	[tilespmem:s30+$0xE0] =	vst v11;
	v14 =	vld.idx.msk [tilespmem:v16+s4+$0x0], $0xffff  }
0xc0: {  	v9 =	vld.idx.msk [tilespmem:v61+s4+$0x0], $0xffff;
	[tilespmem:s30+$0x60] =	vst v20  }
0xc1: {  	[tilespmem:s24+$0xFFFFFF70] =	vst v10;
	v62 =	vld.idx.msk [tilespmem:v17+s4+$0x0], $0xffff  }
0xc2: {  	p1 =	sne.s32 s23, $0x7F;
	[tilespmem:s24+$0xF0] =	vst v8;
	s24 =	smul.u32 $0x320, s23  }
.Ltmp3:
0xc3: {  	[tilespmem:s30+$0xFFFFFF70] =	vst v63;
	(pc) =	sbr.rel @p1 .LBB2_6-.Ltmp3, $4  }
0xc4: {  	s26 =	sadd.s32 s5, s24;
	[tilespmem:s30+$0xFFFFFFF0] =	vst v14  }
0xc5: {  	s26 =	sshll.u32 s26, $0x4;
	[tilespmem:s30+$0xF0] =	vst v9  }
0xc6: {  	s31 =	sadd.s32 s3, s26;
	[tilespmem:s30+$0x70] =	vst v62  }
0xc7: {  	[hbm4b:s31+s4] =	stream.linear.scatter [tilespmem:s17], [sflag:$0x3], $0xC800, $0x38;
	[tilespmem:$0x19800] =	vst v63  }
.Ltmp4:
0xc8: {  	(pc) =	sbr.rel .LBB2_7-.Ltmp4, $4  }
0xc9: {  	_ = 	snop  }
0xca: {  	_ =	swait.ge [sflag:s18], $0x190  }
0xcb: {  	[sflag:s18] =	ssyncset.done $0x0  }
0xcc: {  	[sflag:s18] =	ssyncadd.s32 $0xFFFFFE70  }
.LBB2_6:
0xcd: {  	s25 =	sadd.s32 s24, s9  }
0xce: {  	s25 =	sshrl.u32 s25, $0x3  }
.Ltmp5:
0xcf: {  	s25 =	sadd.s32 s6, s25;
	(pc) =	sbr.rel @p0 .LBB2_8-.Ltmp5, $4  }
0xd0: {  	[tilespmem:s14], [sflag:$0x1] =	stream.linear.gather [hbm4b:s25+s4], $0x190, $0x38;
	[tilespmem:$0x19800] =	vst v63  }
0xd1: {  	_ =	swait.ge [sflag:s18], $0x190  }
0xd2: {  	[sflag:s18] =	ssyncset.done $0x0  }
0xd3: {  	[sflag:s18] =	ssyncadd.s32 $0xFFFFFE70  }
.LBB2_7:
0xd4: {  	_ =	swait.ge [sflag:s19], $0xC800  }
0xd5: {  	[sflag:s19] =	ssyncset.done $0x0  }
0xd6: {  	[sflag:s19] =	ssyncadd.s32 $0xFFFF3800  }
.LBB2_8:
0xd7: {  	s25 =	simm.s32 $0x2  }
0xd8: {  	s26 =	simm.s32 $0x1;
	v8 =	vmov s25  }
0xd9: {  	s31 =	simm.s32 $0x0;
	v9 =	vmov s26;
	v8 =	vand.u32 $0xFFFFFFFE, v8  }
0xda: {  	v10 =	vmov s31;
	v9 =	vand.u32 $0xFFFFFFFD, v9;
	v8 =	vbroadcast v8, $0x0  }
0xdb: {  	v10 =	vand.u32 $0xFFFFFFFC, v10;
	v9 =	vbroadcast v9, $0x0  }
0xdc: {  	v10 =	vbroadcast v10, $0x0  }
0xdd: {  	s30 =	simm.s32 $0x3  }
0xde: {  	v11 =	vmov s30;
	_ =	sdelay $0x1  }
0xdf: {  	v8 =	vld.idx.msk [tilespmem:v8+s15+$0x0], $0xffff  }
0xe0: {  	v9 =	vld.idx.msk [tilespmem:v9+s15+$0x0], $0xffff  }
0xe1: {  	v10 =	vld.idx.msk [tilespmem:v10+s15+$0x0], $0xffff  }
0xe2: {  	v11 =	vld.idx.msk [tilespmem:v11+s15+$0x0], $0xffff;
	_ =	sdelay $0x1  }
0xe3: {  	v18 =	vshll.u32 v8, $0x7  }
0xe4: {  	v16 =	vshll.u32 v9, $0x7;
	v8 =	vor.u32 v0, v18  }
0xe5: {  	v12 =	vshll.u32 v10, $0x7;
	v9 =	vor.u32 v0, v16  }
0xe6: {  	v13 =	vshll.u32 v11, $0x7;
	v10 =	vor.u32 v0, v12  }
0xe7: {  	v11 =	vor.u32 v0, v13;
	_ =	sdelay $0x1  }
0xe8: {  	v8 =	vld.idx.msk [tilespmem:v8+s4+$0x0], $0xffff  }
0xe9: {  	v14 =	vor.u32 v1, v18;
	v9 =	vld.idx.msk [tilespmem:v9+s4+$0x0], $0xffff  }
0xea: {  	v15 =	vor.u32 v1, v16;
	v10 =	vld.idx.msk [tilespmem:v10+s4+$0x0], $0xffff  }
0xeb: {  	v17 =	vor.u32 v1, v12;
	v11 =	vld.idx.msk [tilespmem:v11+s4+$0x0], $0xffff  }
0xec: {  	s26 =	simm.s32 $0xD100;
	v19 =	vor.u32 v1, v13  }
0xed: {  	[tilespmem:s26+$0x0] =	vst v8  }
0xee: {  	[tilespmem:s26+$0xFFFFFF80] =	vst v9;
	v9 =	vld.idx.msk [tilespmem:v14+s4+$0x0], $0xffff  }
0xef: {  	s28 =	simm.s32 $0x4;
	[tilespmem:s26+$0xFFFFFF00] =	vst v10;
	v10 =	vld.idx.msk [tilespmem:v15+s4+$0x0], $0xffff;
	v15 =	vor.u32 v2, v18  }
0xf0: {  	s30 =	simm.s32 $0x5;
	v20 =	vor.u32 v2, v16;
	[tilespmem:s26+$0x80] =	vst v11;
	v14 =	vmov s28;
	v17 =	vld.idx.msk [tilespmem:v17+s4+$0x0], $0xffff  }
0xf1: {  	v21 =	vmov s30;
	v11 =	vor.u32 v2, v12;
	v19 =	vld.idx.msk [tilespmem:v19+s4+$0x0], $0xffff;
	v14 =	vand.u32 $0xFFFFFFFC, v14  }
0xf2: {  	v21 =	vand.u32 $0xFFFFFFFD, v21;
	v22 =	vor.u32 v2, v13;
	v14 =	vbroadcast v14, $0x0  }
0xf3: {  	s31 =	simm.s32 $0x7;
	[tilespmem:s26+$0x10] =	vst v9;
	v9 =	vbroadcast v21, $0x0  }
0xf4: {  	v8 =	vmov s31;
	s31 =	simm.s32 $0x6;
	[tilespmem:s26+$0xFFFFFF90] =	vst v10;
	v10 =	vld.idx.msk [tilespmem:v15+s4+$0x0], $0xffff  }
0xf5: {  	[tilespmem:s26+$0xFFFFFF10] =	vst v17;
	v17 =	vmov s31;
	v15 =	vld.idx.msk [tilespmem:v20+s4+$0x0], $0xffff;
	v20 =	vor.u32 v3, v18  }
0xf6: {  	[tilespmem:s26+$0x90] =	vst v19;
	v21 =	vor.u32 v3, v16;
	v11 =	vld.idx.msk [tilespmem:v11+s4+$0x0], $0xffff;
	v17 =	vand.u32 $0xFFFFFFFE, v17  }
0xf7: {  	v19 =	vor.u32 v3, v12;
	v22 =	vld.idx.msk [tilespmem:v22+s4+$0x0], $0xffff;
	v17 =	vbroadcast v17, $0x0  }
0xf8: {  	v14 =	vld.idx.msk [tilespmem:v14+s15+$0x0], $0xffff  }
0xf9: {  	v9 =	vld.idx.msk [tilespmem:v9+s15+$0x0], $0xffff;
	[tilespmem:s26+$0x20] =	vst v10;
	v10 =	vor.u32 v3, v13  }
0xfa: {  	[tilespmem:s26+$0xFFFFFFA0] =	vst v15;
	v15 =	vld.idx.msk [tilespmem:v20+s4+$0x0], $0xffff  }
0xfb: {  	[tilespmem:s26+$0xFFFFFF20] =	vst v11;
	v11 =	vld.idx.msk [tilespmem:v21+s4+$0x0], $0xffff  }
0xfc: {  	v20 =	vor.u32 v4, v18;
	v19 =	vld.idx.msk [tilespmem:v19+s4+$0x0], $0xffff  }
0xfd: {  	[tilespmem:s26+$0xA0] =	vst v22;
	v21 =	vor.u32 v4, v16;
	v17 =	vld.idx.msk [tilespmem:v17+s15+$0x0], $0xffff  }
0xfe: {  	v22 =	vor.u32 v4, v12;
	v23 =	vld.idx.msk [tilespmem:v10+s4+$0x0], $0xffff  }
0xff: {  	v8 =	vld.idx.msk [tilespmem:v8+s15+$0x0], $0xffff;
	v10 =	vshll.u32 v14, $0x7;
	v14 =	vor.u32 v4, v13  }
0x100: {  	v9 =	vshll.u32 v9, $0x7;
	[tilespmem:s26+$0x30] =	vst v15;
	v15 =	vor.u32 v0, v10  }
0x101: {  	[tilespmem:s26+$0xFFFFFFB0] =	vst v11;
	v25 =	vor.u32 v0, v9;
	v20 =	vld.idx.msk [tilespmem:v20+s4+$0x0], $0xffff  }
0x102: {  	[tilespmem:s26+$0xFFFFFF30] =	vst v19;
	v19 =	vld.idx.msk [tilespmem:v21+s4+$0x0], $0xffff;
	v11 =	vshll.u32 v17, $0x7;
	v21 =	vor.u32 v5, v18  }
0x103: {  	s30 =	simm.s32 $0x8;
	v17 =	vld.idx.msk [tilespmem:v22+s4+$0x0], $0xffff;
	v22 =	vor.u32 v0, v11;
	[tilespmem:s26+$0xB0] =	vst v23  }
0x104: {  	v26 =	vmov s30;
	v8 =	vshll.u32 v8, $0x7;
	v23 =	vor.u32 v5, v16;
	v14 =	vld.idx.msk [tilespmem:v14+s4+$0x0], $0xffff  }
0x105: {  	v26 =	vand.u32 $0xFFFFFFFC, v26;
	v24 =	vor.u32 v0, v8;
	v27 =	vld.idx.msk [tilespmem:v15+s4+$0x0], $0xffff  }
0x106: {  	v26 =	vbroadcast v26, $0x0;
	v15 =	vor.u32 v5, v12;
	v25 =	vld.idx.msk [tilespmem:v25+s4+$0x0], $0xffff;
	[tilespmem:s26+$0x40] =	vst v20  }
0x107: {  	v21 =	vld.idx.msk [tilespmem:v21+s4+$0x0], $0xffff  }
0x108: {  	v20 =	vor.u32 v5, v13;
	[tilespmem:s26+$0xFFFFFFC0] =	vst v19;
	v19 =	vld.idx.msk [tilespmem:v22+s4+$0x0], $0xffff  }
0x109: {  	s31 =	simm.s32 $0xB;
	v22 =	vld.idx.msk [tilespmem:v23+s4+$0x0], $0xffff;
	v23 =	vor.u32 v6, v18  }
0x10a: {  	v28 =	vmov s31;
	v24 =	vld.idx.msk [tilespmem:v24+s4+$0x0], $0xffff;
	[tilespmem:s26+$0xFFFFFF40] =	vst v17  }
0x10b: {  	v31 =	vor.u32 v1, v9;
	v30 =	vld.idx.msk [tilespmem:v15+s4+$0x0], $0xffff  }
0x10c: {  	v29 =	vor.u32 v1, v11;
	[tilespmem:s26+$0xC0] =	vst v14;
	v14 =	vld.idx.msk [tilespmem:v26+s15+$0x0], $0xffff  }
0x10d: {  	s25 =	simm.s32 $0xD300;
	v17 =	vld.idx.msk [tilespmem:v20+s4+$0x0], $0xffff;
	v20 =	vor.u32 v1, v10;
	[tilespmem:s26+$0x50] =	vst v21  }
0x10e: {  	v26 =	vor.u32 v1, v8;
	[tilespmem:s25+$0xFFFFFF80] =	vst v25;
	v21 =	vld.idx.msk [tilespmem:v23+s4+$0x0], $0xffff  }
0x10f: {  	v15 =	vld.idx.msk [tilespmem:v28+s15+$0x0], $0xffff;
	[tilespmem:s25+$0xFFFFFF00] =	vst v27;
	v27 =	vor.u32 v7, v18  }
0x110: {  	v25 =	vor.u32 v6, v12;
	v28 =	vld.idx.msk [tilespmem:v31+s4+$0x0], $0xffff;
	[tilespmem:s25+$0x0] =	vst v19  }
0x111: {  	[tilespmem:s25+$0x80] =	vst v24;
	v19 =	vor.u32 v6, v16;
	v23 =	vld.idx.msk [tilespmem:v29+s4+$0x0], $0xffff  }
0x112: {  	v32 =	vor.u32 v2, v9;
	[tilespmem:s26+$0xFFFFFFD0] =	vst v22;
	v29 =	vld.idx.msk [tilespmem:v20+s4+$0x0], $0xffff  }
0x113: {  	v63 =	vor.u32 v2, v11;
	v20 =	vld.idx.msk [tilespmem:v26+s4+$0x0], $0xffff;
	[tilespmem:s26+$0x60] =	vst v21  }
0x114: {  	s28 =	simm.s32 $0x9;
	[tilespmem:s26+$0xFFFFFF50] =	vst v30;
	v21 =	vld.idx.msk [tilespmem:v27+s4+$0x0], $0xffff;
	v27 =	vor.u32 v2, v10  }
0x115: {  	v24 =	vor.u32 v2, v8;
	v22 =	vmov s28;
	v18 =	vld.idx.msk [tilespmem:v25+s4+$0x0], $0xffff;
	[tilespmem:s25+$0xFFFFFF90] =	vst v28  }
0x116: {  	v25 =	vor.u32 v6, v13;
	v19 =	vld.idx.msk [tilespmem:v19+s4+$0x0], $0xffff;
	[tilespmem:s25+$0x10] =	vst v23;
	v23 =	vand.u32 $0xFFFFFFFD, v22  }
0x117: {  	v16 =	vor.u32 v7, v16;
	v26 =	vld.idx.msk [tilespmem:v32+s4+$0x0], $0xffff;
	v23 =	vbroadcast v23, $0x0  }
0x118: {  	s29 =	simm.s32 $0xA;
	s28 =	simm.s32 $0xC;
	v22 =	vld.idx.msk [tilespmem:v63+s4+$0x0], $0xffff;
	[tilespmem:s25+$0xFFFFFF10] =	vst v29  }
.LBB2_9:
0x119: {  	p0 =	slt.u32 s28, $0x18C;
	v28 =	vmov s29;
	v27 =	vld.idx.msk [tilespmem:v27+s4+$0x0], $0xffff;
	v29 =	vor.u32 v3, v11;
	[tilespmem:s25+$0x90] =	vst v20  }
0x11a: {  	v20 =	vand.u32 $0xFFFFFFFE, v28;
	v28 =	vor.u32 v3, v9;
	v24 =	vld.idx.msk [tilespmem:v24+s4+$0x0], $0xffff;
	[tilespmem:s26+$0xD0] =	vst v17  }
0x11b: {  	v17 =	vbroadcast v20, $0x0;
	v20 =	vor.u32 v3, v10;
	[tilespmem:s26+$0xFFFFFFE0] =	vst v19;
	v19 =	vld.idx.msk [tilespmem:v25+s4+$0x0], $0xffff  }
0x11c: {  	v16 =	vld.idx.msk [tilespmem:v16+s4+$0x0], $0xffff;
	[tilespmem:s26+$0x70] =	vst v21  }
0x11d: {  	v21 =	vld.idx.msk [tilespmem:v23+s15+$0x0], $0xffff;
	[tilespmem:s25+$0x20] =	vst v22;
	v22 =	vor.u32 v3, v8  }
0x11e: {  	v25 =	vor.u32 v7, v12;
	v12 =	vmov v10;
	[tilespmem:s25+$0xFFFFFFA0] =	vst v26;
	v23 =	vld.idx.msk [tilespmem:v29+s4+$0x0], $0xffff  }
0x11f: {  	[tilespmem:s25+$0xFFFFFF20] =	vst v27;
	v26 =	vld.idx.msk [tilespmem:v28+s4+$0x0], $0xffff;
	v27 =	vor.u32 v7, v13;
	v13 =	vmov v8  }
0x120: {  	v28 =	vor.u32 v4, v11;
	v20 =	vld.idx.msk [tilespmem:v20+s4+$0x0], $0xffff;
	[tilespmem:s25+$0xA0] =	vst v24  }
0x121: {  	v24 =	vor.u32 v4, v9;
	v17 =	vld.idx.msk [tilespmem:v17+s15+$0x0], $0xffff;
	[tilespmem:s26+$0xFFFFFF60] =	vst v18  }
0x122: {  	v8 =	vshll.u32 v15, $0x7;
	v15 =	vor.u32 v4, v12;
	v18 =	vld.idx.msk [tilespmem:v22+s4+$0x0], $0xffff;
	[tilespmem:s26+$0xE0] =	vst v19  }
0x123: {  	v19 =	vor.u32 v0, v8;
	v22 =	vld.idx.msk [tilespmem:v25+s4+$0x0], $0xffff;
	[tilespmem:s26+$0xFFFFFFF0] =	vst v16  }
0x124: {  	v10 =	vshll.u32 v14, $0x7;
	v14 =	vor.u32 v4, v13;
	[tilespmem:s25+$0x30] =	vst v23;
	v16 =	vld.idx.msk [tilespmem:v27+s4+$0x0], $0xffff  }
0x125: {  	v29 =	vshll.u32 v21, $0x7;
	v23 =	vor.u32 v0, v10;
	[tilespmem:s25+$0xFFFFFFB0] =	vst v26;
	v21 =	vld.idx.msk [tilespmem:v28+s4+$0x0], $0xffff  }
0x126: {  	v25 =	vor.u32 v0, v29;
	[tilespmem:s25+$0xFFFFFF30] =	vst v20;
	v20 =	vld.idx.msk [tilespmem:v24+s4+$0x0], $0xffff  }
0x127: {  	v24 =	vshll.u32 v17, $0x7;
	v17 =	vor.u32 v5, v11;
	v15 =	vld.idx.msk [tilespmem:v15+s4+$0x0], $0xffff  }
0x128: {  	v26 =	vor.u32 v0, v24;
	v19 =	vld.idx.msk [tilespmem:v19+s4+$0x0], $0xffff;
	[tilespmem:s25+$0xB0] =	vst v18  }
0x129: {  	v18 =	vor.u32 v5, v9;
	v14 =	vld.idx.msk [tilespmem:v14+s4+$0x0], $0xffff;
	[tilespmem:s26+$0xFFFFFF70] =	vst v22  }
0x12a: {  	v27 =	vor.u32 v5, v12;
	v22 =	vmov s28;
	v23 =	vld.idx.msk [tilespmem:v23+s4+$0x0], $0xffff;
	[tilespmem:s26+$0xF0] =	vst v16;
	s26 =	smov.u32 s25  }
0x12b: {  	s29 =	sadd.s32 $0x3, s28;
	v16 =	vand.u32 $0xFFFFFFFC, v22;
	v22 =	vld.idx.msk [tilespmem:v25+s4+$0x0], $0xffff;
	[tilespmem:s25+$0x40] =	vst v21;
	v21 =	vor.u32 v5, v13  }
0x12c: {  	v16 =	vbroadcast v16, $0x0;
	v25 =	vmov s29;
	[tilespmem:s25+$0xFFFFFFC0] =	vst v20;
	v20 =	vld.idx.msk [tilespmem:v17+s4+$0x0], $0xffff  }
0x12d: {  	v26 =	vld.idx.msk [tilespmem:v26+s4+$0x0], $0xffff;
	[tilespmem:s25+$0xFFFFFF40] =	vst v15  }
0x12e: {  	v28 =	vor.u32 v6, v11;
	v18 =	vld.idx.msk [tilespmem:v18+s4+$0x0], $0xffff  }
0x12f: {  	v30 =	vor.u32 v1, v24;
	v31 =	vld.idx.msk [tilespmem:v27+s4+$0x0], $0xffff;
	[tilespmem:s25+$0xC0] =	vst v14  }
0x130: {  	v27 =	vor.u32 v1, v29;
	v17 =	vld.idx.msk [tilespmem:v21+s4+$0x0], $0xffff  }
0x131: {  	v21 =	vor.u32 v1, v10;
	v15 =	vld.idx.msk [tilespmem:v25+s15+$0x0], $0xffff  }
0x132: {  	s25 =	sadd.s32 $0x200, s25;
	v14 =	vld.idx.msk [tilespmem:v16+s15+$0x0], $0xffff;
	v16 =	vor.u32 v1, v8;
	[tilespmem:s26+$0x50] =	vst v20  }
0x133: {  	v25 =	vor.u32 v6, v9;
	[tilespmem:s25+$0x0] =	vst v26;
	v26 =	vld.idx.msk [tilespmem:v28+s4+$0x0], $0xffff  }
0x134: {  	v28 =	vor.u32 v6, v12;
	[tilespmem:s25+$0xFFFFFF80] =	vst v22;
	v22 =	vld.idx.msk [tilespmem:v30+s4+$0x0], $0xffff  }
0x135: {  	[tilespmem:s25+$0xFFFFFF00] =	vst v23;
	v30 =	vld.idx.msk [tilespmem:v27+s4+$0x0], $0xffff;
	v23 =	vor.u32 v7, v11;
	v11 =	vmov v24  }
0x136: {  	v32 =	vld.idx.msk [tilespmem:v21+s4+$0x0], $0xffff;
	v33 =	vor.u32 v2, v11;
	[tilespmem:s25+$0x80] =	vst v19  }
0x137: {  	v34 =	vor.u32 v2, v29;
	v20 =	vld.idx.msk [tilespmem:v16+s4+$0x0], $0xffff;
	[tilespmem:s26+$0xFFFFFFD0] =	vst v18  }
.Ltmp6:
0x138: {  	s29 =	sadd.s32 $0x1, s28;
	v27 =	vor.u32 v2, v10;
	[tilespmem:s26+$0xFFFFFF50] =	vst v31;
	v19 =	vld.idx.msk [tilespmem:v25+s4+$0x0], $0xffff;
	(pc) =	sbr.rel @p0 .LBB2_9-.Ltmp6, $4  }
0x139: {  	v24 =	vor.u32 v2, v8;
	v16 =	vmov s29;
	v18 =	vld.idx.msk [tilespmem:v28+s4+$0x0], $0xffff;
	[tilespmem:s26+$0x60] =	vst v26  }
0x13a: {  	v16 =	vand.u32 $0xFFFFFFFD, v16;
	v25 =	vor.u32 v6, v13;
	[tilespmem:s25+$0x10] =	vst v22;
	v21 =	vld.idx.msk [tilespmem:v23+s4+$0x0], $0xffff  }
0x13b: {  	v23 =	vbroadcast v16, $0x0;
	v16 =	vor.u32 v7, v9;
	v9 =	vmov v29;
	[tilespmem:s25+$0xFFFFFF90] =	vst v30;
	v22 =	vld.idx.msk [tilespmem:v33+s4+$0x0], $0xffff  }
0x13c: {  	s29 =	sadd.s32 $0x2, s28;
	s28 =	sadd.s32 $0x4, s28;
	[tilespmem:s25+$0xFFFFFF10] =	vst v32;
	v26 =	vld.idx.msk [tilespmem:v34+s4+$0x0], $0xffff  }
0x13d: {  	_ =	sdelay $0x1  }
0x13e: {  	v28 =	vmov s29  }
0x13f: {  	v28 =	vand.u32 $0xFFFFFFFE, v28  }
0x140: {  	v27 =	vld.idx.msk [tilespmem:v27+s4+$0x0], $0xffff;
	[tilespmem:s25+$0x90] =	vst v20;
	v53 =	vor.u32 v3, v11;
	v28 =	vbroadcast v28, $0x0  }
0x141: {  	[tilespmem:s26+$0xD0] =	vst v17;
	v23 =	vld.idx.msk [tilespmem:v23+s15+$0x0], $0xffff  }
0x142: {  	v54 =	vor.u32 v3, v9;
	[tilespmem:s26+$0xFFFFFFE0] =	vst v19;
	v24 =	vld.idx.msk [tilespmem:v24+s4+$0x0], $0xffff  }
0x143: {  	v12 =	vor.u32 v7, v12;
	v55 =	vld.idx.msk [tilespmem:v25+s4+$0x0], $0xffff;
	[tilespmem:s26+$0xFFFFFF60] =	vst v18  }
0x144: {  	v56 =	vor.u32 v3, v10;
	v59 =	vld.idx.msk [tilespmem:v16+s4+$0x0], $0xffff;
	[tilespmem:s25+$0x20] =	vst v22  }
0x145: {  	v58 =	vor.u32 v3, v8;
	[tilespmem:s26+$0x70] =	vst v21;
	v20 =	vld.idx.msk [tilespmem:v53+s4+$0x0], $0xffff  }
0x146: {  	v60 =	vor.u32 v7, v13;
	v13 =	vshll.u32 v14, $0x7;
	[tilespmem:s25+$0xFFFFFFA0] =	vst v26;
	v57 =	vld.idx.msk [tilespmem:v28+s15+$0x0], $0xffff  }
0x147: {  	v35 =	vor.u32 v0, v13;
	[tilespmem:s25+$0xFFFFFF20] =	vst v27;
	v61 =	vld.idx.msk [tilespmem:v54+s4+$0x0], $0xffff  }
0x148: {  	v29 =	vor.u32 v4, v11;
	v32 =	vld.idx.msk [tilespmem:v12+s4+$0x0], $0xffff;
	[tilespmem:s25+$0xA0] =	vst v24  }
0x149: {  	v63 =	vor.u32 v4, v9;
	v16 =	vshll.u32 v23, $0x7;
	v62 =	vld.idx.msk [tilespmem:v56+s4+$0x0], $0xffff;
	[tilespmem:s26+$0xE0] =	vst v55  }
0x14a: {  	v12 =	vshll.u32 v15, $0x7;
	[tilespmem:s26+$0xFFFFFFF0] =	vst v59;
	v33 =	vor.u32 v0, v16;
	v30 =	vld.idx.msk [tilespmem:v58+s4+$0x0], $0xffff  }
0x14b: {  	v36 =	vor.u32 v0, v12;
	v34 =	vld.idx.msk [tilespmem:v60+s4+$0x0], $0xffff;
	[tilespmem:s25+$0x30] =	vst v20;
	v17 =	vshll.u32 v57, $0x7  }
0x14c: {  	[tilespmem:s25+$0xFFFFFFB0] =	vst v61;
	v20 =	vld.idx.msk [tilespmem:v35+s4+$0x0], $0xffff;
	v31 =	vor.u32 v0, v17  }
0x14d: {  	v38 =	vor.u32 v4, v10;
	[tilespmem:s26+$0xFFFFFF70] =	vst v32;
	v37 =	vld.idx.msk [tilespmem:v29+s4+$0x0], $0xffff  }
0x14e: {  	v40 =	vor.u32 v4, v8;
	[tilespmem:s25+$0xFFFFFF30] =	vst v62;
	v39 =	vld.idx.msk [tilespmem:v63+s4+$0x0], $0xffff  }
0x14f: {  	v45 =	vor.u32 v1, v13;
	v14 =	vld.idx.msk [tilespmem:v33+s4+$0x0], $0xffff;
	[tilespmem:s25+$0xB0] =	vst v30  }
0x150: {  	s30 =	sadd.s32 $0x200, s25;
	v43 =	vor.u32 v1, v16;
	v44 =	vld.idx.msk [tilespmem:v36+s4+$0x0], $0xffff;
	[tilespmem:s26+$0xF0] =	vst v34  }
0x151: {  	v47 =	vor.u32 v1, v12;
	[tilespmem:s30+$0xFFFFFF00] =	vst v20;
	v41 =	vld.idx.msk [tilespmem:v31+s4+$0x0], $0xffff  }
0x152: {  	v46 =	vld.idx.msk [tilespmem:v38+s4+$0x0], $0xffff;
	v42 =	vor.u32 v1, v17;
	[tilespmem:s25+$0x40] =	vst v37  }
0x153: {  	v48 =	vor.u32 v5, v11;
	v25 =	vld.idx.msk [tilespmem:v40+s4+$0x0], $0xffff;
	[tilespmem:s25+$0xFFFFFFC0] =	vst v39  }
0x154: {  	v49 =	vor.u32 v5, v9;
	[tilespmem:s30+$0xFFFFFF80] =	vst v14;
	v20 =	vld.idx.msk [tilespmem:v45+s4+$0x0], $0xffff  }
0x155: {  	v54 =	vor.u32 v2, v13;
	[tilespmem:s30+$0x80] =	vst v44;
	v15 =	vld.idx.msk [tilespmem:v43+s4+$0x0], $0xffff  }
0x156: {  	v52 =	vor.u32 v2, v16;
	v53 =	vld.idx.msk [tilespmem:v47+s4+$0x0], $0xffff;
	[tilespmem:s30+$0x0] =	vst v41  }
0x157: {  	v56 =	vor.u32 v2, v12;
	[tilespmem:s25+$0xFFFFFF40] =	vst v46;
	v50 =	vld.idx.msk [tilespmem:v42+s4+$0x0], $0xffff  }
0x158: {  	v51 =	vor.u32 v2, v17;
	v55 =	vld.idx.msk [tilespmem:v48+s4+$0x0], $0xffff;
	[tilespmem:s25+$0xC0] =	vst v25  }
0x159: {  	v57 =	vor.u32 v5, v10;
	v18 =	vld.idx.msk [tilespmem:v49+s4+$0x0], $0xffff;
	[tilespmem:s30+$0xFFFFFF10] =	vst v20  }
0x15a: {  	v58 =	vor.u32 v6, v11;
	[tilespmem:s30+$0xFFFFFF90] =	vst v15;
	v62 =	vld.idx.msk [tilespmem:v54+s4+$0x0], $0xffff  }
0x15b: {  	v29 =	vor.u32 v3, v13;
	[tilespmem:s30+$0x90] =	vst v53;
	v60 =	vld.idx.msk [tilespmem:v52+s4+$0x0], $0xffff  }
0x15c: {  	v63 =	vor.u32 v3, v16;
	v28 =	vld.idx.msk [tilespmem:v56+s4+$0x0], $0xffff;
	[tilespmem:s30+$0x10] =	vst v50  }
0x15d: {  	v31 =	vor.u32 v3, v12;
	[tilespmem:s25+$0x50] =	vst v55;
	v59 =	vld.idx.msk [tilespmem:v51+s4+$0x0], $0xffff  }
0x15e: {  	v61 =	vor.u32 v3, v17;
	v30 =	vld.idx.msk [tilespmem:v57+s4+$0x0], $0xffff;
	[tilespmem:s25+$0xFFFFFFD0] =	vst v18  }
0x15f: {  	v32 =	vor.u32 v5, v8;
	v14 =	vld.idx.msk [tilespmem:v58+s4+$0x0], $0xffff;
	[tilespmem:s30+$0xFFFFFF20] =	vst v62  }
0x160: {  	v33 =	vor.u32 v6, v9;
	[tilespmem:s30+$0xFFFFFFA0] =	vst v60;
	v37 =	vld.idx.msk [tilespmem:v29+s4+$0x0], $0xffff  }
0x161: {  	v39 =	vor.u32 v4, v13;
	[tilespmem:s30+$0xA0] =	vst v28;
	v35 =	vld.idx.msk [tilespmem:v63+s4+$0x0], $0xffff  }
0x162: {  	v38 =	vor.u32 v4, v16;
	v18 =	vld.idx.msk [tilespmem:v31+s4+$0x0], $0xffff;
	[tilespmem:s30+$0x20] =	vst v59  }
0x163: {  	[tilespmem:s25+$0xFFFFFF50] =	vst v30;
	v41 =	vor.u32 v4, v12;
	v34 =	vld.idx.msk [tilespmem:v61+s4+$0x0], $0xffff  }
0x164: {  	v36 =	vor.u32 v4, v17;
	v40 =	vld.idx.msk [tilespmem:v32+s4+$0x0], $0xffff;
	[tilespmem:s25+$0x60] =	vst v14  }
0x165: {  	v43 =	vor.u32 v6, v10;
	v15 =	vld.idx.msk [tilespmem:v33+s4+$0x0], $0xffff;
	[tilespmem:s30+$0xFFFFFF30] =	vst v37  }
0x166: {  	v42 =	vor.u32 v7, v11;
	[tilespmem:s30+$0xFFFFFFB0] =	vst v35;
	v47 =	vld.idx.msk [tilespmem:v39+s4+$0x0], $0xffff  }
0x167: {  	v49 =	vor.u32 v5, v13;
	[tilespmem:s30+$0xB0] =	vst v18;
	v45 =	vld.idx.msk [tilespmem:v38+s4+$0x0], $0xffff  }
0x168: {  	v48 =	vor.u32 v5, v16;
	v14 =	vld.idx.msk [tilespmem:v41+s4+$0x0], $0xffff;
	[tilespmem:s30+$0x30] =	vst v34  }
0x169: {  	[tilespmem:s25+$0xD0] =	vst v40;
	v50 =	vor.u32 v5, v12;
	v44 =	vld.idx.msk [tilespmem:v36+s4+$0x0], $0xffff  }
0x16a: {  	v46 =	vor.u32 v5, v17;
	v19 =	vld.idx.msk [tilespmem:v43+s4+$0x0], $0xffff;
	[tilespmem:s25+$0xFFFFFFE0] =	vst v15  }
0x16b: {  	v52 =	vor.u32 v7, v9;
	v11 =	vld.idx.msk [tilespmem:v42+s4+$0x0], $0xffff;
	[tilespmem:s30+$0xFFFFFF40] =	vst v47  }
0x16c: {  	v51 =	vor.u32 v6, v8;
	[tilespmem:s30+$0xFFFFFFC0] =	vst v45;
	v54 =	vld.idx.msk [tilespmem:v49+s4+$0x0], $0xffff  }
0x16d: {  	v57 =	vor.u32 v6, v13;
	[tilespmem:s30+$0xC0] =	vst v14;
	v18 =	vld.idx.msk [tilespmem:v48+s4+$0x0], $0xffff  }
0x16e: {  	v55 =	vor.u32 v6, v16;
	v56 =	vld.idx.msk [tilespmem:v50+s4+$0x0], $0xffff;
	[tilespmem:s30+$0x40] =	vst v44  }
0x16f: {  	[tilespmem:s25+$0xFFFFFF60] =	vst v19;
	v59 =	vor.u32 v6, v12;
	v20 =	vld.idx.msk [tilespmem:v46+s4+$0x0], $0xffff  }
0x170: {  	v53 =	vor.u32 v6, v17;
	v9 =	vld.idx.msk [tilespmem:v52+s4+$0x0], $0xffff;
	[tilespmem:s25+$0x70] =	vst v11  }
0x171: {  	v60 =	vor.u32 v7, v10;
	v58 =	vld.idx.msk [tilespmem:v51+s4+$0x0], $0xffff;
	[tilespmem:s30+$0xFFFFFF50] =	vst v54  }
0x172: {  	v8 =	vor.u32 v7, v8;
	[tilespmem:s30+$0xFFFFFFD0] =	vst v18;
	v15 =	vld.idx.msk [tilespmem:v57+s4+$0x0], $0xffff  }
0x173: {  	v13 =	vor.u32 v7, v13;
	[tilespmem:s30+$0xD0] =	vst v56;
	v14 =	vld.idx.msk [tilespmem:v55+s4+$0x0], $0xffff  }
0x174: {  	v16 =	vor.u32 v7, v16;
	v11 =	vld.idx.msk [tilespmem:v59+s4+$0x0], $0xffff;
	[tilespmem:s30+$0x50] =	vst v20  }
0x175: {  	[tilespmem:s25+$0xFFFFFFF0] =	vst v9;
	v61 =	vor.u32 v7, v12;
	v20 =	vld.idx.msk [tilespmem:v53+s4+$0x0], $0xffff  }
0x176: {  	v17 =	vor.u32 v7, v17;
	v10 =	vld.idx.msk [tilespmem:v60+s4+$0x0], $0xffff;
	[tilespmem:s25+$0xE0] =	vst v58  }
0x177: {  	v8 =	vld.idx.msk [tilespmem:v8+s4+$0x0], $0xffff;
	[tilespmem:s30+$0xFFFFFF60] =	vst v15  }
0x178: {  	[tilespmem:s30+$0xFFFFFFE0] =	vst v14;
	v63 =	vld.idx.msk [tilespmem:v13+s4+$0x0], $0xffff  }
0x179: {  	[tilespmem:s30+$0xE0] =	vst v11;
	v14 =	vld.idx.msk [tilespmem:v16+s4+$0x0], $0xffff  }
0x17a: {  	v9 =	vld.idx.msk [tilespmem:v61+s4+$0x0], $0xffff;
	[tilespmem:s30+$0x60] =	vst v20  }
0x17b: {  	[tilespmem:s25+$0xFFFFFF70] =	vst v10;
	v62 =	vld.idx.msk [tilespmem:v17+s4+$0x0], $0xffff  }
0x17c: {  	p0 =	seq.s32 s23, $0x7F;
	[tilespmem:s25+$0xF0] =	vst v8  }
.Ltmp7:
0x17d: {  	[tilespmem:s30+$0xFFFFFF70] =	vst v63;
	(pc) =	sbr.rel @p0 .LBB2_12-.Ltmp7, $4  }
0x17e: {  	s31 =	sadd.s32 s24, s10;
	[tilespmem:s30+$0xFFFFFFF0] =	vst v14  }
0x17f: {  	s25 =	sshll.u32 s31, $0x4;
	[tilespmem:s30+$0xF0] =	vst v9  }
0x180: {  	s25 =	sadd.s32 s3, s25;
	[tilespmem:s30+$0x70] =	vst v62  }
0x181: {  	[hbm4b:s25+s4] =	stream.linear.scatter [tilespmem:s20], [sflag:$0x4], $0xC800, $0x38;
	[tilespmem:$0x19800] =	vst v63  }
.Ltmp8:
0x182: {  	(pc) =	sbr.rel .LBB2_2-.Ltmp8, $4  }
0x183: {  	s24 =	sadd.s32 s24, s11  }
0x184: {  	s24 =	sshrl.u32 s24, $0x3  }
0x185: {  	s23 =	sadd.s32 $0x1, s23;
	s24 =	sadd.s32 s6, s24  }
0x186: {  	[tilespmem:s15], [sflag:$0x2] =	stream.linear.gather [hbm4b:s24+s4], $0x190, $0x38;
	[tilespmem:$0x19800] =	vst v63  }
.LBB2_13:
0x187: {  	_ =	sfence.sel $0x180000  }
0x188: {  	[bflag:$0x0] =	sbarrier.arrive $0xFFFF  }
0x189: {  	p0 =	sne.s32 s0, $0x0;
	_ =	strace $0x90000047  }
0x18a: {  	s0 =	sadd.s32 @!p0 $0x100000, s1;
	[bflag:$0x2] =	sbarrier.arrive $0xFFFF  }
0x18b: {  	[sflag:s0] =	ssyncadd.tile.s32 @!p0 $0x1;
	_ =	shalt  }
.Lfunc_end2:
_tile_overlayer_lowered:
.L_overlay_start_2:
0x18c: {  	(tag) =	ssettag $0x2  }
0x18d: {  	s0 =	rddreg [dreg:$0x0];
	s2 =	stileid.u32  }
0x18e: {  	s1 =	rddreg [dreg:$0x1];
	p0 =	sne.s32 s2, $0x0  }
0x18f: {  	s3 =	rddreg [dreg:$0x2];
	[bflag:$0x3] =	sbarrier.arrive $0xFFFF;
	s2 =	simm.s32 @!p0 $0x1C05  }
0x190: {  	[timem:s3], [sflag:s2] =	dma.local @!p0 [hbm:s0], s1  }
0x191: {  	s0 =	simm.s32 @!p0 $0x5  }
0x192: {  	_ =	swait.ge @!p0 [sflag:s0], s1  }
0x193: {  	s1 =	ssub.s32 @!p0 $0x0, s1;
	[sflag:s0] =	ssyncset.done @!p0 $0x0  }
0x194: {  	[sflag:s0] =	ssyncadd.s32 @!p0 s1  }
0x195: {  	[bflag:$0x3] =	sbarrier.arrive $0xFFFF  }
0x196: {  	_ =	shalt  }

</sc_bundles>
